<compile_context>
chip_gen: v7x
topology: tpu7x:2x2x1
jax: 0.10.2.dev20260603
libtpu: 0.0.44.dev20260713+nightly
codegen_flags: <defaults>
</compile_context>

<pallas_src>
import functools

import jax
import jax.numpy as jnp
from jax import lax
from jax.experimental import pallas as pl
from jax.experimental.pallas import tpu as pltpu
from jax.experimental.pallas import tpu_sc as plsc

ROWS = 128
N = 32768
K = 64
L = 16
NVREG = N // L
CAP = N + 4 * L
IMIN = -2147483648
NC = 2
NS = 16
ROWS_PER = ROWS // (NC * NS)


def _key(x16):
    u = plsc.bitcast(x16, jnp.int32)
    return u ^ ((u >> 31) & 0x7FFFFFFF)


def _sc_body(x_hbm, o_hbm, xv, ck, ci, wv, wi, sem_in, sem_out):
    wid = lax.axis_index("s") * NC + lax.axis_index("c")
    zf = jnp.zeros((L,), jnp.float32)
    row0 = wid * ROWS_PER

    def z_body(i, carry):
        for u in range(4):
            ck[pl.ds((i * 4 + u) * L, L)] = zf
        return carry
    lax.fori_loop(0, CAP // (4 * L), z_body, jnp.int32(0))

    pltpu.sync_copy(x_hbm.at[row0], xv)

    def do_row(r, carry):
        row = row0 + r

        @pl.when(r > 0)
        def _():
            pltpu.make_async_copy(x_hbm.at[row], xv, sem_in).wait()

        def a_body(i, accs):
            accs = list(accs)
            base = i * 8 * L
            for u in range(8):
                x16 = xv[pl.ds(base + u * L, L)]
                accs[u % 4] = jnp.maximum(accs[u % 4], x16)
            return tuple(accs)
        ninf = jnp.full((L,), -jnp.inf, jnp.float32)
        a0, a1, a2, a3 = lax.fori_loop(
            0, NVREG // 8, a_body, (ninf, ninf, ninf, ninf))
        mn4 = jnp.minimum(jnp.minimum(a0, a1), jnp.minimum(a2, a3))
        mx4 = jnp.maximum(jnp.maximum(a0, a1), jnp.maximum(a2, a3))
        t0 = jnp.min(mn4)
        kt0 = jnp.min(_key(mn4))
        kmx = jnp.max(_key(mx4))

        @pl.when(r > 0)
        def _():
            pltpu.make_async_copy(ck.at[pl.ds(0, N)], o_hbm.at[row - 1],
                                  sem_out).wait()
            for j in range(4):
                plsc.store_scatter(ck, [wi[pl.ds(j * L, L)]], zf)

        def b_body(i, off):
            base = i * 4 * L
            xs = [xv[pl.ds(base + u * L, L)] for u in range(4)]
            ms = [x16 >= t0 for x16 in xs]
            kfs = [plsc.bitcast(_key(x16), jnp.float32) for x16 in xs]
            ps = [plsc.all_reduce_population_count(m)[0] for m in ms]
            offs = [off, off + ps[0], off + ps[0] + ps[1],
                    off + ps[0] + ps[1] + ps[2]]
            for u in range(4):
                plsc.store_compressed(ck.at[pl.ds(offs[u], L)], kfs[u],
                                      mask=ms[u])
                i16 = lax.iota(jnp.int32, L) + (base + u * L)
                plsc.store_compressed(ci.at[pl.ds(offs[u], L)], i16,
                                      mask=ms[u])
            return offs[3] + ps[3]
        n = lax.fori_loop(0, NVREG // 4, b_body, jnp.int32(0))

        @pl.when(r < ROWS_PER - 1)
        def _():
            pltpu.async_copy(x_hbm.at[row + 1], xv, sem_in)

        kpad = plsc.bitcast(jnp.full((L,), IMIN, jnp.int32), jnp.float32)
        for j in range(4):
            ck[pl.ds(n + j * L, L)] = kpad
        nv2 = (n + 2 * L - 1) // (2 * L)

        def count_k(pred):
            def body(j, acc):
                k0 = plsc.bitcast(ck[pl.ds(j * 2 * L, L)], jnp.int32)
                k1 = plsc.bitcast(ck[pl.ds(j * 2 * L + L, L)], jnp.int32)
                return acc + jnp.where(pred(k0), 1, 0) + jnp.where(pred(k1), 1, 0)
            return jnp.sum(lax.fori_loop(0, nv2, body, jnp.zeros((L,), jnp.int32)))

        def count_ki(pred):
            def body(j, acc):
                k0 = plsc.bitcast(ck[pl.ds(j * 2 * L, L)], jnp.int32)
                i0 = ci[pl.ds(j * 2 * L, L)]
                k1 = plsc.bitcast(ck[pl.ds(j * 2 * L + L, L)], jnp.int32)
                i1 = ci[pl.ds(j * 2 * L + L, L)]
                return (acc + jnp.where(pred(k0, i0), 1, 0)
                        + jnp.where(pred(k1, i1), 1, 0))
            return jnp.sum(lax.fori_loop(0, nv2, body, jnp.zeros((L,), jnp.int32)))

        pdiff = jnp.broadcast_to(kt0 ^ kmx, (L,))
        ev = (plsc.bitcast(pdiff.astype(jnp.float32), jnp.int32) >> 23) & 0xFF
        nbits = jnp.clip(jnp.max(ev) - 127 + 2, 0, 32)
        nbc = jnp.minimum(nbits, 31)
        wmask = ~(lax.shift_left(jnp.int32(1), nbc) - 1)
        w_init = jnp.where(nbits >= 32, 0, (kmx ^ IMIN) & wmask)

        def bit_body(i, w):
            cand_w = w | lax.shift_left(jnp.int32(1), 31 - i)
            cand_v = cand_w ^ IMIN
            cnt = count_k(lambda k16: k16 >= cand_v)
            return jnp.where(cnt >= K, cand_w, w)
        t = lax.fori_loop(32 - nbits, 32, bit_body, w_init) ^ IMIN

        c_gt = count_k(lambda k16: k16 > t)
        c_eq = count_k(lambda k16: k16 == t)
        extras = K - c_gt

        def cut_search():
            def cut_body(i, c):
                cand = c | lax.shift_left(jnp.int32(1), 15 - i)
                h = count_ki(lambda k16, i16: (k16 == t) & (i16 < cand))
                return jnp.where(h <= extras, cand, c)
            return lax.fori_loop(0, 16, cut_body, jnp.int32(0))
        cut = lax.cond(c_eq == extras, lambda: jnp.int32(N), cut_search)

        def win_body(j, off2):
            for u in range(2):
                k16 = plsc.bitcast(ck[pl.ds(j * 2 * L + u * L, L)], jnp.int32)
                i16 = ci[pl.ds(j * 2 * L + u * L, L)]
                m = (k16 > t) | ((k16 == t) & (i16 < cut))
                val = jnp.maximum(
                    plsc.bitcast(k16 ^ ((k16 >> 31) & 0x7FFFFFFF), jnp.float32),
                    0.0)
                plsc.store_compressed(wv.at[pl.ds(off2, L)], val, mask=m)
                plsc.store_compressed(wi.at[pl.ds(off2, L)], i16, mask=m)
                off2 = off2 + plsc.all_reduce_population_count(m)[0]
            return off2
        lax.fori_loop(0, nv2, win_body, jnp.int32(0))

        nz2 = (n + 4 * L + 2 * L - 1) // (2 * L)
        def rz_body(j, carry2):
            ck[pl.ds(j * 2 * L, L)] = zf
            ck[pl.ds(j * 2 * L + L, L)] = zf
            return carry2
        lax.fori_loop(0, nz2, rz_body, jnp.int32(0))

        for j in range(4):
            plsc.store_scatter(ck, [wi[pl.ds(j * L, L)]], wv[pl.ds(j * L, L)])
        pltpu.async_copy(ck.at[pl.ds(0, N)], o_hbm.at[row], sem_out)
        return carry

    lax.fori_loop(0, ROWS_PER, do_row, jnp.int32(0))
    pltpu.make_async_copy(ck.at[pl.ds(0, N)], o_hbm.at[row0 + ROWS_PER - 1],
                          sem_out).wait()


_sc_call = functools.partial(
    pl.kernel,
    out_type=jax.ShapeDtypeStruct((ROWS, N), jnp.float32),
    mesh=plsc.VectorSubcoreMesh(
        core_axis_name="c", subcore_axis_name="s",
        num_cores=NC, num_subcores=NS,
    ),
    scratch_types=[
        pltpu.VMEM((N,), jnp.float32),
        pltpu.VMEM((CAP,), jnp.float32),
        pltpu.VMEM((CAP,), jnp.int32),
        pltpu.VMEM((K + L,), jnp.float32),
        pltpu.VMEM((K + L,), jnp.int32),
        pltpu.SemaphoreType.DMA,
        pltpu.SemaphoreType.DMA,
    ],
    compiler_params=pltpu.CompilerParams(needs_layout_passes=False),
)(_sc_body)


@jax.jit
def kernel(x, token_mask):
    del token_mask
    return _sc_call(x)

# --- scband reference (transcript-rebuilt; emitter-appended) ---
"""Pipeline reference for scband-top-kactivation-function-4587025072458 (READ-ONLY COPY).

The authoritative reference and input builder live on the scoring server;
editing this copy changes nothing except your own understanding.
"""

import jax, jax.numpy as jnp
import numpy as np

K = 64

def setup_inputs(seed: int = 0) -> dict:
    key = jax.random.key(seed)
    kx, km = jax.random.split(key)
    x = jax.random.normal(kx, (128, 32768), dtype=jnp.float32)
    token_mask = jnp.ones((128,), dtype=jnp.bool_)
    return {"x": x, "token_mask": token_mask}

def reference(x, token_mask):
    # torch.topk(x, k, dim=-1, sorted=False) -> values, indices
    vals, idx = jax.lax.top_k(x, K)
    # result = zeros_like(x); result.scatter_(-1, idx, vals.relu())
    rows = jnp.arange(x.shape[0])[:, None]
    result = jnp.zeros_like(x).at[rows, idx].set(jax.nn.relu(vals))
    return result

if __name__ == "__main__":
    import jax
    _d = setup_inputs()
    print(jax.jit(kernel)(*tuple(_d.values())))

</pallas_src>

<mosaic_0001>
#map = affine_map<(d0, d1) -> (0, 0)>
module attributes {stable_mosaic.version = 14 : i64} {
  func.func @_sc_body(%arg0: i32, %arg1: i32, %arg2: memref<128x32768xf32, #tpu.memory_space<hbm>>, %arg3: memref<128x32768xf32, #tpu.memory_space<hbm>>, %arg4: memref<32768xf32, #tpu.memory_space<vmem>>, %arg5: memref<32832xf32, #tpu.memory_space<vmem>>, %arg6: memref<32832xi32, #tpu.memory_space<vmem>>, %arg7: memref<80xf32, #tpu.memory_space<vmem>>, %arg8: memref<80xi32, #tpu.memory_space<vmem>>, %arg9: memref<!tpu.dma_semaphore, #tpu.memory_space<semaphore_mem>>, %arg10: memref<!tpu.dma_semaphore, #tpu.memory_space<semaphore_mem>>) attributes {dimension_semantics = [#tpu.dimension_semantics<core_parallel>, #tpu.dimension_semantics<subcore_parallel>], iteration_bounds = array<i64: 2, 16>, scalar_prefetch = 0 : i64, scratch_operands = 7 : i64, tpu.core_type = #tpu.core_type<sc_vector_subcore>, window_params = [{transform_indices = #map}, {transform_indices = #map}]} {
    %mul3A = arith.constant 2 : i32
    %mul3A_0 = arith.muli %arg1, %mul3A : i32
    %add3A = arith.addi %mul3A_0, %arg0 : i32
    %broadcast_in_dim3A = arith.constant 0.000000e+00 : f32
    %broadcast_in_dim3A_1 = vector.broadcast %broadcast_in_dim3A : f32 to vector<16xf32>
    %mul3A_2 = arith.constant 4 : i32
    %mul3A_3 = arith.muli %add3A, %mul3A_2 : i32
    %scan3A = arith.constant 0 : i32
    %scan3A_4 = arith.constant 0 : i32
    %scan3A_5 = arith.constant 513 : i32
    %scan3A_6 = arith.addi %scan3A_4, %scan3A_5 : i32
    %scan3A_7 = arith.constant 1 : i32
    scf.for %scan3A_27 = %scan3A_4 to %scan3A_6 step %scan3A_7  : i32 {
      %mul3A_28 = arith.constant 4 : i32
      %mul3A_29 = arith.muli %scan3A_27, %mul3A_28 : i32
      %add3A_30 = arith.constant 0 : i32
      %add3A_31 = arith.addi %mul3A_29, %add3A_30 : i32
      %mul3A_32 = arith.constant 16 : i32
      %mul3A_33 = arith.muli %add3A_31, %mul3A_32 : i32
      %swap3A = arith.index_cast %mul3A_33 : i32 to index
      %swap3A_34 = tpu.vector_load %arg5[%swap3A] {strides = array<i32>} : memref<32832xf32, #tpu.memory_space<vmem>>, vector<16xf32>,
      tpu.vector_store %arg5[%swap3A], %broadcast_in_dim3A_1 {strides = array<i32>} : memref<32832xf32, #tpu.memory_space<vmem>>, vector<16xf32>,
      %mul3A_35 = arith.constant 4 : i32
      %mul3A_36 = arith.muli %scan3A_27, %mul3A_35 : i32
      %add3A_37 = arith.constant 1 : i32
      %add3A_38 = arith.addi %mul3A_36, %add3A_37 : i32
      %mul3A_39 = arith.constant 16 : i32
      %mul3A_40 = arith.muli %add3A_38, %mul3A_39 : i32
      %swap3A_41 = arith.index_cast %mul3A_40 : i32 to index
      %swap3A_42 = tpu.vector_load %arg5[%swap3A_41] {strides = array<i32>} : memref<32832xf32, #tpu.memory_space<vmem>>, vector<16xf32>,
      tpu.vector_store %arg5[%swap3A_41], %broadcast_in_dim3A_1 {strides = array<i32>} : memref<32832xf32, #tpu.memory_space<vmem>>, vector<16xf32>,
      %mul3A_43 = arith.constant 4 : i32
      %mul3A_44 = arith.muli %scan3A_27, %mul3A_43 : i32
      %add3A_45 = arith.constant 2 : i32
      %add3A_46 = arith.addi %mul3A_44, %add3A_45 : i32
      %mul3A_47 = arith.constant 16 : i32
      %mul3A_48 = arith.muli %add3A_46, %mul3A_47 : i32
      %swap3A_49 = arith.index_cast %mul3A_48 : i32 to index
      %swap3A_50 = tpu.vector_load %arg5[%swap3A_49] {strides = array<i32>} : memref<32832xf32, #tpu.memory_space<vmem>>, vector<16xf32>,
      tpu.vector_store %arg5[%swap3A_49], %broadcast_in_dim3A_1 {strides = array<i32>} : memref<32832xf32, #tpu.memory_space<vmem>>, vector<16xf32>,
      %mul3A_51 = arith.constant 4 : i32
      %mul3A_52 = arith.muli %scan3A_27, %mul3A_51 : i32
      %add3A_53 = arith.constant 3 : i32
      %add3A_54 = arith.addi %mul3A_52, %add3A_53 : i32
      %mul3A_55 = arith.constant 16 : i32
      %mul3A_56 = arith.muli %add3A_54, %mul3A_55 : i32
      %swap3A_57 = arith.index_cast %mul3A_56 : i32 to index
      %swap3A_58 = tpu.vector_load %arg5[%swap3A_57] {strides = array<i32>} : memref<32832xf32, #tpu.memory_space<vmem>>, vector<16xf32>,
      tpu.vector_store %arg5[%swap3A_57], %broadcast_in_dim3A_1 {strides = array<i32>} : memref<32832xf32, #tpu.memory_space<vmem>>, vector<16xf32>,
    }
    %scan3A_8 = arith.constant 513 : i32
    "tpu.region"() ({
      %run_scoped3A = tpu.sem_alloc : memref<!tpu.dma_semaphore, #tpu.memory_space<semaphore_mem>>
      %dma_start3A = arith.constant 0 : i32
      %dma_start3A_27 = tpu.memref_slice %arg2[%mul3A_3, %dma_start3A] : memref<128x32768xf32, #tpu.memory_space<hbm>> -> memref<1x32768xf32, #tpu.memory_space<hbm>>
      %dma_start3A_28 = tpu.memref_squeeze %dma_start3A_27 : memref<1x32768xf32, #tpu.memory_space<hbm>> -> memref<32768xf32, #tpu.memory_space<hbm>>
      %dma_start3A_29 = arith.constant 0 : i32
      %dma_start3A_30 = tpu.memref_slice %arg2[%mul3A_3, %dma_start3A_29] : memref<128x32768xf32, #tpu.memory_space<hbm>> -> memref<1x32768xf32, #tpu.memory_space<hbm>>
      %dma_start3A_31 = tpu.memref_squeeze %dma_start3A_30 : memref<1x32768xf32, #tpu.memory_space<hbm>> -> memref<32768xf32, #tpu.memory_space<hbm>>
      tpu.enqueue_dma source(%dma_start3A_31 : memref<32768xf32, #tpu.memory_space<hbm>>) target(%arg4 : memref<32768xf32, #tpu.memory_space<vmem>>) target_semaphore(%run_scoped3A : memref<!tpu.dma_semaphore, #tpu.memory_space<semaphore_mem>>)
      %dma_wait3A_32 = arith.constant 0 : i32
      %dma_wait3A_33 = tpu.memref_slice %arg2[%mul3A_3, %dma_wait3A_32] : memref<128x32768xf32, #tpu.memory_space<hbm>> -> memref<1x32768xf32, #tpu.memory_space<hbm>>
      %dma_wait3A_34 = tpu.memref_squeeze %dma_wait3A_33 : memref<1x32768xf32, #tpu.memory_space<hbm>> -> memref<32768xf32, #tpu.memory_space<hbm>>
      %dma_wait3A_35 = arith.constant 0 : i32
      %dma_wait3A_36 = tpu.memref_slice %arg2[%mul3A_3, %dma_wait3A_35] : memref<128x32768xf32, #tpu.memory_space<hbm>> -> memref<1x32768xf32, #tpu.memory_space<hbm>>
      %dma_wait3A_37 = tpu.memref_squeeze %dma_wait3A_36 : memref<1x32768xf32, #tpu.memory_space<hbm>> -> memref<32768xf32, #tpu.memory_space<hbm>>
      tpu.wait_dma2 semaphore(%run_scoped3A : memref<!tpu.dma_semaphore, #tpu.memory_space<semaphore_mem>>) src(%dma_wait3A_37 : memref<32768xf32, #tpu.memory_space<hbm>>) dst(%arg4 : memref<32768xf32, #tpu.memory_space<vmem>>)
      tpu.yield
    }) : () -> ()
    %scan3A_9 = arith.constant 0 : i32
    %scan3A_10 = arith.constant 0 : i32
    %scan3A_11 = arith.constant 4 : i32
    %scan3A_12 = arith.addi %scan3A_10, %scan3A_11 : i32
    %scan3A_13 = arith.constant 1 : i32
    scf.for %scan3A_27 = %scan3A_10 to %scan3A_12 step %scan3A_13  : i32 {
      %add3A_28 = arith.addi %mul3A_3, %scan3A_27 : i32
      %gt3A = arith.constant 0 : i32
      %gt3A_29 = arith.cmpi sgt, %scan3A_27, %gt3A : i32
      %convert_element_type3A = arith.extui %gt3A_29 : i1 to i32
      %cond3A = arith.constant 0 : i32
      %cond3A_30 = arith.cmpi ne, %convert_element_type3A, %cond3A : i32
      scf.if %cond3A_30 {
        %dma_wait3A_296 = arith.constant 0 : i32
        %dma_wait3A_297 = tpu.memref_slice %arg2[%add3A_28, %dma_wait3A_296] : memref<128x32768xf32, #tpu.memory_space<hbm>> -> memref<1x32768xf32, #tpu.memory_space<hbm>>
        %dma_wait3A_298 = tpu.memref_squeeze %dma_wait3A_297 : memref<1x32768xf32, #tpu.memory_space<hbm>> -> memref<32768xf32, #tpu.memory_space<hbm>>
        %dma_wait3A_299 = arith.constant 0 : i32
        %dma_wait3A_300 = tpu.memref_slice %arg2[%add3A_28, %dma_wait3A_299] : memref<128x32768xf32, #tpu.memory_space<hbm>> -> memref<1x32768xf32, #tpu.memory_space<hbm>>
        %dma_wait3A_301 = tpu.memref_squeeze %dma_wait3A_300 : memref<1x32768xf32, #tpu.memory_space<hbm>> -> memref<32768xf32, #tpu.memory_space<hbm>>
        tpu.wait_dma2 semaphore(%arg9 : memref<!tpu.dma_semaphore, #tpu.memory_space<semaphore_mem>>) src(%dma_wait3A_301 : memref<32768xf32, #tpu.memory_space<hbm>>) dst(%arg4 : memref<32768xf32, #tpu.memory_space<vmem>>)
      } else {
      }
      %broadcast_in_dim3A_31 = arith.constant 0xFF800000 : f32
      %broadcast_in_dim3A_32 = vector.broadcast %broadcast_in_dim3A_31 : f32 to vector<16xf32>
      %scan3A_33 = arith.constant 0 : i32
      %scan3A_34 = arith.constant 256 : i32
      %scan3A_35 = arith.addi %scan3A_33, %scan3A_34 : i32
      %scan3A_36 = arith.constant 1 : i32
      %scan3A_37:4 = scf.for %scan3A_296 = %scan3A_33 to %scan3A_35 step %scan3A_36 iter_args(%scan3A_297 = %broadcast_in_dim3A_32, %scan3A_298 = %broadcast_in_dim3A_32, %scan3A_299 = %broadcast_in_dim3A_32, %scan3A_300 = %broadcast_in_dim3A_32) -> (vector<16xf32>, vector<16xf32>, vector<16xf32>, vector<16xf32>)  : i32 {
        %mul3A_301 = arith.constant 8 : i32
        %mul3A_302 = arith.muli %scan3A_296, %mul3A_301 : i32
        %mul3A_303 = arith.constant 16 : i32
        %mul3A_304 = arith.muli %mul3A_302, %mul3A_303 : i32
        %add3A_305 = arith.constant 0 : i32
        %add3A_306 = arith.addi %mul3A_304, %add3A_305 : i32
        %get3A_307 = arith.index_cast %add3A_306 : i32 to index
        %get3A_308 = tpu.vector_load %arg4[%get3A_307] {strides = array<i32>} : memref<32768xf32, #tpu.memory_space<vmem>>, vector<16xf32>,
        %max3A_309 = arith.maximumf %scan3A_297, %get3A_308 : vector<16xf32>
        %add3A_310 = arith.constant 16 : i32
        %add3A_311 = arith.addi %mul3A_304, %add3A_310 : i32
        %get3A_312 = arith.index_cast %add3A_311 : i32 to index
        %get3A_313 = tpu.vector_load %arg4[%get3A_312] {strides = array<i32>} : memref<32768xf32, #tpu.memory_space<vmem>>, vector<16xf32>,
        %max3A_314 = arith.maximumf %scan3A_298, %get3A_313 : vector<16xf32>
        %add3A_315 = arith.constant 32 : i32
        %add3A_316 = arith.addi %mul3A_304, %add3A_315 : i32
        %get3A_317 = arith.index_cast %add3A_316 : i32 to index
        %get3A_318 = tpu.vector_load %arg4[%get3A_317] {strides = array<i32>} : memref<32768xf32, #tpu.memory_space<vmem>>, vector<16xf32>,
        %max3A_319 = arith.maximumf %scan3A_299, %get3A_318 : vector<16xf32>
        %add3A_320 = arith.constant 48 : i32
        %add3A_321 = arith.addi %mul3A_304, %add3A_320 : i32
        %get3A_322 = arith.index_cast %add3A_321 : i32 to index
        %get3A_323 = tpu.vector_load %arg4[%get3A_322] {strides = array<i32>} : memref<32768xf32, #tpu.memory_space<vmem>>, vector<16xf32>,
        %max3A_324 = arith.maximumf %scan3A_300, %get3A_323 : vector<16xf32>
        %add3A_325 = arith.constant 64 : i32
        %add3A_326 = arith.addi %mul3A_304, %add3A_325 : i32
        %get3A_327 = arith.index_cast %add3A_326 : i32 to index
        %get3A_328 = tpu.vector_load %arg4[%get3A_327] {strides = array<i32>} : memref<32768xf32, #tpu.memory_space<vmem>>, vector<16xf32>,
        %max3A_329 = arith.maximumf %max3A_309, %get3A_328 : vector<16xf32>
        %add3A_330 = arith.constant 80 : i32
        %add3A_331 = arith.addi %mul3A_304, %add3A_330 : i32
        %get3A_332 = arith.index_cast %add3A_331 : i32 to index
        %get3A_333 = tpu.vector_load %arg4[%get3A_332] {strides = array<i32>} : memref<32768xf32, #tpu.memory_space<vmem>>, vector<16xf32>,
        %max3A_334 = arith.maximumf %max3A_314, %get3A_333 : vector<16xf32>
        %add3A_335 = arith.constant 96 : i32
        %add3A_336 = arith.addi %mul3A_304, %add3A_335 : i32
        %get3A_337 = arith.index_cast %add3A_336 : i32 to index
        %get3A_338 = tpu.vector_load %arg4[%get3A_337] {strides = array<i32>} : memref<32768xf32, #tpu.memory_space<vmem>>, vector<16xf32>,
        %max3A_339 = arith.maximumf %max3A_319, %get3A_338 : vector<16xf32>
        %add3A_340 = arith.constant 112 : i32
        %add3A_341 = arith.addi %mul3A_304, %add3A_340 : i32
        %get3A_342 = arith.index_cast %add3A_341 : i32 to index
        %get3A_343 = tpu.vector_load %arg4[%get3A_342] {strides = array<i32>} : memref<32768xf32, #tpu.memory_space<vmem>>, vector<16xf32>,
        %max3A_344 = arith.maximumf %max3A_324, %get3A_343 : vector<16xf32>
        scf.yield %max3A_329, %max3A_334, %max3A_339, %max3A_344 : vector<16xf32>, vector<16xf32>, vector<16xf32>, vector<16xf32>
      }
      %scan3A_38 = arith.constant 256 : i32
      %min3A = arith.minimumf %scan3A_37#0, %scan3A_37#1 : vector<16xf32>
      %min3A_39 = arith.minimumf %scan3A_37#2, %scan3A_37#3 : vector<16xf32>
      %min3A_40 = arith.minimumf %min3A, %min3A_39 : vector<16xf32>
      %max3A = arith.maximumf %scan3A_37#0, %scan3A_37#1 : vector<16xf32>
      %max3A_41 = arith.maximumf %scan3A_37#2, %scan3A_37#3 : vector<16xf32>
      %max3A_42 = arith.maximumf %max3A, %max3A_41 : vector<16xf32>
      %reduce_min3A = arith.constant true
      %reduce_min3A_43 = vector.broadcast %reduce_min3A : i1 to vector<16xi1>
      %reduce_min3A_44 = tpu.scan <min>, %min3A_40 masked %reduce_min3A_43 : vector<16xf32>, vector<16xi1> -> vector<16xf32>
      %reduce_min3A_45 = vector.extract %reduce_min3A_44[15] : f32 from vector<16xf32>
      %bitcast3A = vector.bitcast %min3A_40 : vector<16xf32> to vector<16xi32>
      %shift_right_arithmetic3A = arith.constant 31 : i32
      %shift_right_arithmetic3A_46 = vector.broadcast %shift_right_arithmetic3A : i32 to vector<16xi32>
      %shift_right_arithmetic3A_47 = arith.shrsi %bitcast3A, %shift_right_arithmetic3A_46 : vector<16xi32>
      %and3A = arith.constant 2147483647 : i32
      %and3A_48 = vector.broadcast %and3A : i32 to vector<16xi32>
      %and3A_49 = arith.andi %shift_right_arithmetic3A_47, %and3A_48 : vector<16xi32>
      %xor3A = arith.xori %bitcast3A, %and3A_49 : vector<16xi32>
      %reduce_min3A_50 = arith.constant true
      %reduce_min3A_51 = vector.broadcast %reduce_min3A_50 : i1 to vector<16xi1>
      %reduce_min3A_52 = arith.constant -2147483648 : i32
      %reduce_min3A_53 = vector.broadcast %reduce_min3A_52 : i32 to vector<16xi32>
      %reduce_min3A_54 = arith.xori %xor3A, %reduce_min3A_53 : vector<16xi32>
      %reduce_min3A_55 = tpu.scan <min>, %reduce_min3A_54 masked %reduce_min3A_51 : vector<16xi32>, vector<16xi1> -> vector<16xi32>
      %reduce_min3A_56 = arith.xori %reduce_min3A_55, %reduce_min3A_53 : vector<16xi32>
      %reduce_min3A_57 = vector.extract %reduce_min3A_56[15] : i32 from vector<16xi32>
      %bitcast3A_58 = vector.bitcast %max3A_42 : vector<16xf32> to vector<16xi32>
      %shift_right_arithmetic3A_59 = arith.constant 31 : i32
      %shift_right_arithmetic3A_60 = vector.broadcast %shift_right_arithmetic3A_59 : i32 to vector<16xi32>
      %shift_right_arithmetic3A_61 = arith.shrsi %bitcast3A_58, %shift_right_arithmetic3A_60 : vector<16xi32>
      %and3A_62 = arith.constant 2147483647 : i32
      %and3A_63 = vector.broadcast %and3A_62 : i32 to vector<16xi32>
      %and3A_64 = arith.andi %shift_right_arithmetic3A_61, %and3A_63 : vector<16xi32>
      %xor3A_65 = arith.xori %bitcast3A_58, %and3A_64 : vector<16xi32>
      %reduce_max3A = arith.constant true
      %reduce_max3A_66 = vector.broadcast %reduce_max3A : i1 to vector<16xi1>
      %reduce_max3A_67 = arith.constant -2147483648 : i32
      %reduce_max3A_68 = vector.broadcast %reduce_max3A_67 : i32 to vector<16xi32>
      %reduce_max3A_69 = arith.xori %xor3A_65, %reduce_max3A_68 : vector<16xi32>
      %reduce_max3A_70 = tpu.scan <max>, %reduce_max3A_69 masked %reduce_max3A_66 : vector<16xi32>, vector<16xi1> -> vector<16xi32>
      %reduce_max3A_71 = arith.xori %reduce_max3A_70, %reduce_max3A_68 : vector<16xi32>
      %reduce_max3A_72 = vector.extract %reduce_max3A_71[15] : i32 from vector<16xi32>
      %gt3A_73 = arith.constant 0 : i32
      %gt3A_74 = arith.cmpi sgt, %scan3A_27, %gt3A_73 : i32
      %convert_element_type3A_75 = arith.extui %gt3A_74 : i1 to i32
      %cond3A_76 = arith.constant 0 : i32
      %cond3A_77 = arith.cmpi ne, %convert_element_type3A_75, %cond3A_76 : i32
      scf.if %cond3A_77 {
        %sub3A_296 = arith.constant 1 : i32
        %sub3A_297 = arith.subi %add3A_28, %sub3A_296 : i32
        %dma_wait3A_298 = arith.constant 0 : i32
        %dma_wait3A_299 = tpu.memref_slice %arg5[%dma_wait3A_298] : memref<32832xf32, #tpu.memory_space<vmem>> -> memref<32768xf32, #tpu.memory_space<vmem>>
        %dma_wait3A_300 = arith.constant 0 : i32
        %dma_wait3A_301 = tpu.memref_slice %arg3[%sub3A_297, %dma_wait3A_300] : memref<128x32768xf32, #tpu.memory_space<hbm>> -> memref<1x32768xf32, #tpu.memory_space<hbm>>
        %dma_wait3A_302 = tpu.memref_squeeze %dma_wait3A_301 : memref<1x32768xf32, #tpu.memory_space<hbm>> -> memref<32768xf32, #tpu.memory_space<hbm>>
        %dma_wait3A_303 = arith.constant 0 : i32
        %dma_wait3A_304 = tpu.memref_slice %arg3[%sub3A_297, %dma_wait3A_303] : memref<128x32768xf32, #tpu.memory_space<hbm>> -> memref<1x32768xf32, #tpu.memory_space<hbm>>
        %dma_wait3A_305 = tpu.memref_squeeze %dma_wait3A_304 : memref<1x32768xf32, #tpu.memory_space<hbm>> -> memref<32768xf32, #tpu.memory_space<hbm>>
        %dma_wait3A_306 = arith.constant 0 : i32
        %dma_wait3A_307 = tpu.memref_slice %arg5[%dma_wait3A_306] : memref<32832xf32, #tpu.memory_space<vmem>> -> memref<32768xf32, #tpu.memory_space<vmem>>
        tpu.wait_dma2 semaphore(%arg10 : memref<!tpu.dma_semaphore, #tpu.memory_space<semaphore_mem>>) src(%dma_wait3A_307 : memref<32768xf32, #tpu.memory_space<vmem>>) dst(%dma_wait3A_305 : memref<32768xf32, #tpu.memory_space<hbm>>)
        %get3A_308 = arith.constant 0 : index
        %get3A_309 = tpu.vector_load %arg8[%get3A_308] {strides = array<i32>} : memref<80xi32, #tpu.memory_space<vmem>>, vector<16xi32>,
        tpu.vector_store_idx %arg5[%get3A_309], %broadcast_in_dim3A_1 : memref<32832xf32, #tpu.memory_space<vmem>>[vector<16xi32>], vector<16xf32>,
        %get3A_310 = arith.constant 16 : index
        %get3A_311 = tpu.vector_load %arg8[%get3A_310] {strides = array<i32>} : memref<80xi32, #tpu.memory_space<vmem>>, vector<16xi32>,
        tpu.vector_store_idx %arg5[%get3A_311], %broadcast_in_dim3A_1 : memref<32832xf32, #tpu.memory_space<vmem>>[vector<16xi32>], vector<16xf32>,
        %get3A_312 = arith.constant 32 : index
        %get3A_313 = tpu.vector_load %arg8[%get3A_312] {strides = array<i32>} : memref<80xi32, #tpu.memory_space<vmem>>, vector<16xi32>,
        tpu.vector_store_idx %arg5[%get3A_313], %broadcast_in_dim3A_1 : memref<32832xf32, #tpu.memory_space<vmem>>[vector<16xi32>], vector<16xf32>,
        %get3A_314 = arith.constant 48 : index
        %get3A_315 = tpu.vector_load %arg8[%get3A_314] {strides = array<i32>} : memref<80xi32, #tpu.memory_space<vmem>>, vector<16xi32>,
        tpu.vector_store_idx %arg5[%get3A_315], %broadcast_in_dim3A_1 : memref<32832xf32, #tpu.memory_space<vmem>>[vector<16xi32>], vector<16xf32>,
      } else {
      }
      %scan3A_78 = arith.constant 0 : i32
      %scan3A_79 = arith.constant 0 : i32
      %scan3A_80 = arith.constant 512 : i32
      %scan3A_81 = arith.addi %scan3A_79, %scan3A_80 : i32
      %scan3A_82 = arith.constant 1 : i32
      %scan3A_83 = scf.for %scan3A_296 = %scan3A_79 to %scan3A_81 step %scan3A_82 iter_args(%scan3A_297 = %scan3A_78) -> (i32)  : i32 {
        %mul3A_298 = arith.constant 4 : i32
        %mul3A_299 = arith.muli %scan3A_296, %mul3A_298 : i32
        %mul3A_300 = arith.constant 16 : i32
        %mul3A_301 = arith.muli %mul3A_299, %mul3A_300 : i32
        %add3A_302 = arith.constant 0 : i32
        %add3A_303 = arith.addi %mul3A_301, %add3A_302 : i32
        %get3A_304 = arith.index_cast %add3A_303 : i32 to index
        %get3A_305 = tpu.vector_load %arg4[%get3A_304] {strides = array<i32>} : memref<32768xf32, #tpu.memory_space<vmem>>, vector<16xf32>,
        %add3A_306 = arith.constant 16 : i32
        %add3A_307 = arith.addi %mul3A_301, %add3A_306 : i32
        %get3A_308 = arith.index_cast %add3A_307 : i32 to index
        %get3A_309 = tpu.vector_load %arg4[%get3A_308] {strides = array<i32>} : memref<32768xf32, #tpu.memory_space<vmem>>, vector<16xf32>,
        %add3A_310 = arith.constant 32 : i32
        %add3A_311 = arith.addi %mul3A_301, %add3A_310 : i32
        %get3A_312 = arith.index_cast %add3A_311 : i32 to index
        %get3A_313 = tpu.vector_load %arg4[%get3A_312] {strides = array<i32>} : memref<32768xf32, #tpu.memory_space<vmem>>, vector<16xf32>,
        %add3A_314 = arith.constant 48 : i32
        %add3A_315 = arith.addi %mul3A_301, %add3A_314 : i32
        %get3A_316 = arith.index_cast %add3A_315 : i32 to index
        %get3A_317 = tpu.vector_load %arg4[%get3A_316] {strides = array<i32>} : memref<32768xf32, #tpu.memory_space<vmem>>, vector<16xf32>,
        %ge3A_318 = vector.broadcast %reduce_min3A_45 : f32 to vector<16xf32>
        %ge3A_319 = arith.cmpf oge, %get3A_305, %ge3A_318 : vector<16xf32>
        %ge3A_320 = vector.broadcast %reduce_min3A_45 : f32 to vector<16xf32>
        %ge3A_321 = arith.cmpf oge, %get3A_309, %ge3A_320 : vector<16xf32>
        %ge3A_322 = vector.broadcast %reduce_min3A_45 : f32 to vector<16xf32>
        %ge3A_323 = arith.cmpf oge, %get3A_313, %ge3A_322 : vector<16xf32>
        %ge3A_324 = vector.broadcast %reduce_min3A_45 : f32 to vector<16xf32>
        %ge3A_325 = arith.cmpf oge, %get3A_317, %ge3A_324 : vector<16xf32>
        %bitcast3A_326 = vector.bitcast %get3A_305 : vector<16xf32> to vector<16xi32>
        %shift_right_arithmetic3A_327 = arith.constant 31 : i32
        %shift_right_arithmetic3A_328 = vector.broadcast %shift_right_arithmetic3A_327 : i32 to vector<16xi32>
        %shift_right_arithmetic3A_329 = arith.shrsi %bitcast3A_326, %shift_right_arithmetic3A_328 : vector<16xi32>
        %and3A_330 = arith.constant 2147483647 : i32
        %and3A_331 = vector.broadcast %and3A_330 : i32 to vector<16xi32>
        %and3A_332 = arith.andi %shift_right_arithmetic3A_329, %and3A_331 : vector<16xi32>
        %xor3A_333 = arith.xori %bitcast3A_326, %and3A_332 : vector<16xi32>
        %bitcast3A_334 = vector.bitcast %xor3A_333 : vector<16xi32> to vector<16xf32>
        %bitcast3A_335 = vector.bitcast %get3A_309 : vector<16xf32> to vector<16xi32>
        %shift_right_arithmetic3A_336 = arith.constant 31 : i32
        %shift_right_arithmetic3A_337 = vector.broadcast %shift_right_arithmetic3A_336 : i32 to vector<16xi32>
        %shift_right_arithmetic3A_338 = arith.shrsi %bitcast3A_335, %shift_right_arithmetic3A_337 : vector<16xi32>
        %and3A_339 = arith.constant 2147483647 : i32
        %and3A_340 = vector.broadcast %and3A_339 : i32 to vector<16xi32>
        %and3A_341 = arith.andi %shift_right_arithmetic3A_338, %and3A_340 : vector<16xi32>
        %xor3A_342 = arith.xori %bitcast3A_335, %and3A_341 : vector<16xi32>
        %bitcast3A_343 = vector.bitcast %xor3A_342 : vector<16xi32> to vector<16xf32>
        %bitcast3A_344 = vector.bitcast %get3A_313 : vector<16xf32> to vector<16xi32>
        %shift_right_arithmetic3A_345 = arith.constant 31 : i32
        %shift_right_arithmetic3A_346 = vector.broadcast %shift_right_arithmetic3A_345 : i32 to vector<16xi32>
        %shift_right_arithmetic3A_347 = arith.shrsi %bitcast3A_344, %shift_right_arithmetic3A_346 : vector<16xi32>
        %and3A_348 = arith.constant 2147483647 : i32
        %and3A_349 = vector.broadcast %and3A_348 : i32 to vector<16xi32>
        %and3A_350 = arith.andi %shift_right_arithmetic3A_347, %and3A_349 : vector<16xi32>
        %xor3A_351 = arith.xori %bitcast3A_344, %and3A_350 : vector<16xi32>
        %bitcast3A_352 = vector.bitcast %xor3A_351 : vector<16xi32> to vector<16xf32>
        %bitcast3A_353 = vector.bitcast %get3A_317 : vector<16xf32> to vector<16xi32>
        %shift_right_arithmetic3A_354 = arith.constant 31 : i32
        %shift_right_arithmetic3A_355 = vector.broadcast %shift_right_arithmetic3A_354 : i32 to vector<16xi32>
        %shift_right_arithmetic3A_356 = arith.shrsi %bitcast3A_353, %shift_right_arithmetic3A_355 : vector<16xi32>
        %and3A_357 = arith.constant 2147483647 : i32
        %and3A_358 = vector.broadcast %and3A_357 : i32 to vector<16xi32>
        %and3A_359 = arith.andi %shift_right_arithmetic3A_356, %and3A_358 : vector<16xi32>
        %xor3A_360 = arith.xori %bitcast3A_353, %and3A_359 : vector<16xi32>
        %bitcast3A_361 = vector.bitcast %xor3A_360 : vector<16xi32> to vector<16xf32>
        %all_reduce_population_count3A = tpu.all_reduce %ge3A_319 {dim = 0 : i64, kind = #tpu.reduction_kind<sum>} : vector<16xi1> -> vector<16xi32>
        %slice3A = vector.extract_strided_slice %all_reduce_population_count3A {offsets = [0], sizes = [1], strides = [1]} : vector<16xi32> to vector<1xi32>
        %squeeze3A = vector.extract %slice3A[0] : i32 from vector<1xi32>
        %all_reduce_population_count3A_362 = tpu.all_reduce %ge3A_321 {dim = 0 : i64, kind = #tpu.reduction_kind<sum>} : vector<16xi1> -> vector<16xi32>
        %slice3A_363 = vector.extract_strided_slice %all_reduce_population_count3A_362 {offsets = [0], sizes = [1], strides = [1]} : vector<16xi32> to vector<1xi32>
        %squeeze3A_364 = vector.extract %slice3A_363[0] : i32 from vector<1xi32>
        %all_reduce_population_count3A_365 = tpu.all_reduce %ge3A_323 {dim = 0 : i64, kind = #tpu.reduction_kind<sum>} : vector<16xi1> -> vector<16xi32>
        %slice3A_366 = vector.extract_strided_slice %all_reduce_population_count3A_365 {offsets = [0], sizes = [1], strides = [1]} : vector<16xi32> to vector<1xi32>
        %squeeze3A_367 = vector.extract %slice3A_366[0] : i32 from vector<1xi32>
        %all_reduce_population_count3A_368 = tpu.all_reduce %ge3A_325 {dim = 0 : i64, kind = #tpu.reduction_kind<sum>} : vector<16xi1> -> vector<16xi32>
        %slice3A_369 = vector.extract_strided_slice %all_reduce_population_count3A_368 {offsets = [0], sizes = [1], strides = [1]} : vector<16xi32> to vector<1xi32>
        %squeeze3A_370 = vector.extract %slice3A_369[0] : i32 from vector<1xi32>
        %add3A_371 = arith.addi %scan3A_297, %squeeze3A : i32
        %add3A_372 = arith.addi %scan3A_297, %squeeze3A : i32
        %add3A_373 = arith.addi %add3A_372, %squeeze3A_364 : i32
        %add3A_374 = arith.addi %scan3A_297, %squeeze3A : i32
        %add3A_375 = arith.addi %add3A_374, %squeeze3A_364 : i32
        %add3A_376 = arith.addi %add3A_375, %squeeze3A_367 : i32
        %swap3A_377 = arith.index_cast %scan3A_297 : i32 to index
        %swap3A_378 = tpu.vector_load %arg5[%swap3A_377] masked %ge3A_319 {strides = array<i32>} : memref<32832xf32, #tpu.memory_space<vmem>>, vector<16xf32>, vector<16xi1>
        tpu.vector_store %arg5[%swap3A_377], %bitcast3A_334 masked %ge3A_319 {strides = array<i32>} : memref<32832xf32, #tpu.memory_space<vmem>>, vector<16xf32>, vector<16xi1>
        %iota3A = tpu.iota {dimensions = array<i32: 0>} : vector<16xi32>
        %add3A_379 = arith.constant 0 : i32
        %add3A_380 = arith.addi %mul3A_301, %add3A_379 : i32
        %add3A_381 = vector.broadcast %add3A_380 : i32 to vector<16xi32>
        %add3A_382 = arith.addi %iota3A, %add3A_381 : vector<16xi32>
        %swap3A_383 = arith.index_cast %scan3A_297 : i32 to index
        %swap3A_384 = tpu.vector_load %arg6[%swap3A_383] masked %ge3A_319 {strides = array<i32>} : memref<32832xi32, #tpu.memory_space<vmem>>, vector<16xi32>, vector<16xi1>
        tpu.vector_store %arg6[%swap3A_383], %add3A_382 masked %ge3A_319 {strides = array<i32>} : memref<32832xi32, #tpu.memory_space<vmem>>, vector<16xi32>, vector<16xi1>
        %swap3A_385 = arith.index_cast %add3A_371 : i32 to index
        %swap3A_386 = tpu.vector_load %arg5[%swap3A_385] masked %ge3A_321 {strides = array<i32>} : memref<32832xf32, #tpu.memory_space<vmem>>, vector<16xf32>, vector<16xi1>
        tpu.vector_store %arg5[%swap3A_385], %bitcast3A_343 masked %ge3A_321 {strides = array<i32>} : memref<32832xf32, #tpu.memory_space<vmem>>, vector<16xf32>, vector<16xi1>
        %iota3A_387 = tpu.iota {dimensions = array<i32: 0>} : vector<16xi32>
        %add3A_388 = arith.constant 16 : i32
        %add3A_389 = arith.addi %mul3A_301, %add3A_388 : i32
        %add3A_390 = vector.broadcast %add3A_389 : i32 to vector<16xi32>
        %add3A_391 = arith.addi %iota3A_387, %add3A_390 : vector<16xi32>
        %swap3A_392 = arith.index_cast %add3A_371 : i32 to index
        %swap3A_393 = tpu.vector_load %arg6[%swap3A_392] masked %ge3A_321 {strides = array<i32>} : memref<32832xi32, #tpu.memory_space<vmem>>, vector<16xi32>, vector<16xi1>
        tpu.vector_store %arg6[%swap3A_392], %add3A_391 masked %ge3A_321 {strides = array<i32>} : memref<32832xi32, #tpu.memory_space<vmem>>, vector<16xi32>, vector<16xi1>
        %swap3A_394 = arith.index_cast %add3A_373 : i32 to index
        %swap3A_395 = tpu.vector_load %arg5[%swap3A_394] masked %ge3A_323 {strides = array<i32>} : memref<32832xf32, #tpu.memory_space<vmem>>, vector<16xf32>, vector<16xi1>
        tpu.vector_store %arg5[%swap3A_394], %bitcast3A_352 masked %ge3A_323 {strides = array<i32>} : memref<32832xf32, #tpu.memory_space<vmem>>, vector<16xf32>, vector<16xi1>
        %iota3A_396 = tpu.iota {dimensions = array<i32: 0>} : vector<16xi32>
        %add3A_397 = arith.constant 32 : i32
        %add3A_398 = arith.addi %mul3A_301, %add3A_397 : i32
        %add3A_399 = vector.broadcast %add3A_398 : i32 to vector<16xi32>
        %add3A_400 = arith.addi %iota3A_396, %add3A_399 : vector<16xi32>
        %swap3A_401 = arith.index_cast %add3A_373 : i32 to index
        %swap3A_402 = tpu.vector_load %arg6[%swap3A_401] masked %ge3A_323 {strides = array<i32>} : memref<32832xi32, #tpu.memory_space<vmem>>, vector<16xi32>, vector<16xi1>
        tpu.vector_store %arg6[%swap3A_401], %add3A_400 masked %ge3A_323 {strides = array<i32>} : memref<32832xi32, #tpu.memory_space<vmem>>, vector<16xi32>, vector<16xi1>
        %swap3A_403 = arith.index_cast %add3A_376 : i32 to index
        %swap3A_404 = tpu.vector_load %arg5[%swap3A_403] masked %ge3A_325 {strides = array<i32>} : memref<32832xf32, #tpu.memory_space<vmem>>, vector<16xf32>, vector<16xi1>
        tpu.vector_store %arg5[%swap3A_403], %bitcast3A_361 masked %ge3A_325 {strides = array<i32>} : memref<32832xf32, #tpu.memory_space<vmem>>, vector<16xf32>, vector<16xi1>
        %iota3A_405 = tpu.iota {dimensions = array<i32: 0>} : vector<16xi32>
        %add3A_406 = arith.constant 48 : i32
        %add3A_407 = arith.addi %mul3A_301, %add3A_406 : i32
        %add3A_408 = vector.broadcast %add3A_407 : i32 to vector<16xi32>
        %add3A_409 = arith.addi %iota3A_405, %add3A_408 : vector<16xi32>
        %swap3A_410 = arith.index_cast %add3A_376 : i32 to index
        %swap3A_411 = tpu.vector_load %arg6[%swap3A_410] masked %ge3A_325 {strides = array<i32>} : memref<32832xi32, #tpu.memory_space<vmem>>, vector<16xi32>, vector<16xi1>
        tpu.vector_store %arg6[%swap3A_410], %add3A_409 masked %ge3A_325 {strides = array<i32>} : memref<32832xi32, #tpu.memory_space<vmem>>, vector<16xi32>, vector<16xi1>
        %add3A_412 = arith.addi %add3A_376, %squeeze3A_370 : i32
        scf.yield %add3A_412 : i32
      }
      %scan3A_84 = arith.constant 512 : i32
      %lt3A = arith.constant 3 : i32
      %lt3A_85 = arith.cmpi slt, %scan3A_27, %lt3A : i32
      %convert_element_type3A_86 = arith.extui %lt3A_85 : i1 to i32
      %cond3A_87 = arith.constant 0 : i32
      %cond3A_88 = arith.cmpi ne, %convert_element_type3A_86, %cond3A_87 : i32
      scf.if %cond3A_88 {
        %add3A_296 = arith.constant 1 : i32
        %add3A_297 = arith.addi %add3A_28, %add3A_296 : i32
        %dma_start3A_298 = arith.constant 0 : i32
        %dma_start3A_299 = tpu.memref_slice %arg2[%add3A_297, %dma_start3A_298] : memref<128x32768xf32, #tpu.memory_space<hbm>> -> memref<1x32768xf32, #tpu.memory_space<hbm>>
        %dma_start3A_300 = tpu.memref_squeeze %dma_start3A_299 : memref<1x32768xf32, #tpu.memory_space<hbm>> -> memref<32768xf32, #tpu.memory_space<hbm>>
        %dma_start3A_301 = arith.constant 0 : i32
        %dma_start3A_302 = tpu.memref_slice %arg2[%add3A_297, %dma_start3A_301] : memref<128x32768xf32, #tpu.memory_space<hbm>> -> memref<1x32768xf32, #tpu.memory_space<hbm>>
        %dma_start3A_303 = tpu.memref_squeeze %dma_start3A_302 : memref<1x32768xf32, #tpu.memory_space<hbm>> -> memref<32768xf32, #tpu.memory_space<hbm>>
        tpu.enqueue_dma source(%dma_start3A_303 : memref<32768xf32, #tpu.memory_space<hbm>>) target(%arg4 : memref<32768xf32, #tpu.memory_space<vmem>>) target_semaphore(%arg9 : memref<!tpu.dma_semaphore, #tpu.memory_space<semaphore_mem>>)
      } else {
      }
      %broadcast_in_dim3A_89 = arith.constant -2147483648 : i32
      %broadcast_in_dim3A_90 = vector.broadcast %broadcast_in_dim3A_89 : i32 to vector<16xi32>
      %bitcast3A_91 = vector.bitcast %broadcast_in_dim3A_90 : vector<16xi32> to vector<16xf32>
      %add3A_92 = arith.constant 0 : i32
      %add3A_93 = arith.addi %scan3A_83, %add3A_92 : i32
      %swap3A = arith.index_cast %add3A_93 : i32 to index
      %swap3A_94 = tpu.vector_load %arg5[%swap3A] {strides = array<i32>} : memref<32832xf32, #tpu.memory_space<vmem>>, vector<16xf32>,
      tpu.vector_store %arg5[%swap3A], %bitcast3A_91 {strides = array<i32>} : memref<32832xf32, #tpu.memory_space<vmem>>, vector<16xf32>,
      %add3A_95 = arith.constant 16 : i32
      %add3A_96 = arith.addi %scan3A_83, %add3A_95 : i32
      %swap3A_97 = arith.index_cast %add3A_96 : i32 to index
      %swap3A_98 = tpu.vector_load %arg5[%swap3A_97] {strides = array<i32>} : memref<32832xf32, #tpu.memory_space<vmem>>, vector<16xf32>,
      tpu.vector_store %arg5[%swap3A_97], %bitcast3A_91 {strides = array<i32>} : memref<32832xf32, #tpu.memory_space<vmem>>, vector<16xf32>,
      %add3A_99 = arith.constant 32 : i32
      %add3A_100 = arith.addi %scan3A_83, %add3A_99 : i32
      %swap3A_101 = arith.index_cast %add3A_100 : i32 to index
      %swap3A_102 = tpu.vector_load %arg5[%swap3A_101] {strides = array<i32>} : memref<32832xf32, #tpu.memory_space<vmem>>, vector<16xf32>,
      tpu.vector_store %arg5[%swap3A_101], %bitcast3A_91 {strides = array<i32>} : memref<32832xf32, #tpu.memory_space<vmem>>, vector<16xf32>,
      %add3A_103 = arith.constant 48 : i32
      %add3A_104 = arith.addi %scan3A_83, %add3A_103 : i32
      %swap3A_105 = arith.index_cast %add3A_104 : i32 to index
      %swap3A_106 = tpu.vector_load %arg5[%swap3A_105] {strides = array<i32>} : memref<32832xf32, #tpu.memory_space<vmem>>, vector<16xf32>,
      tpu.vector_store %arg5[%swap3A_105], %bitcast3A_91 {strides = array<i32>} : memref<32832xf32, #tpu.memory_space<vmem>>, vector<16xf32>,
      %add3A_107 = arith.constant 32 : i32
      %add3A_108 = arith.addi %scan3A_83, %add3A_107 : i32
      %sub3A_109 = arith.constant 1 : i32
      %sub3A_110 = arith.subi %add3A_108, %sub3A_109 : i32
      %jit3A = arith.constant 32 : i32
      %div3A = arith.divsi %sub3A_110, %jit3A : i32
      %sign3A = arith.constant 0 : i32
      %sign3A_111 = arith.cmpi sgt, %sub3A_110, %sign3A : i32
      %sign3A_112 = arith.extui %sign3A_111 : i1 to i32
      %sign3A_113 = arith.constant 0 : i32
      %sign3A_114 = arith.cmpi slt, %sub3A_110, %sign3A_113 : i32
      %sign3A_115 = arith.extui %sign3A_114 : i1 to i32
      %sign3A_116 = arith.subi %sign3A_112, %sign3A_115 : i32
      %sign3A_117 = arith.constant 0 : i32
      %sign3A_118 = arith.cmpi sgt, %jit3A, %sign3A_117 : i32
      %sign3A_119 = arith.extui %sign3A_118 : i1 to i32
      %sign3A_120 = arith.constant 0 : i32
      %sign3A_121 = arith.cmpi slt, %jit3A, %sign3A_120 : i32
      %sign3A_122 = arith.extui %sign3A_121 : i1 to i32
      %sign3A_123 = arith.subi %sign3A_119, %sign3A_122 : i32
      %ne3A = arith.cmpi ne, %sign3A_116, %sign3A_123 : i32
      %rem3A = arith.remsi %sub3A_110, %jit3A : i32
      %ne3A_124 = arith.constant 0 : i32
      %ne3A_125 = arith.cmpi ne, %rem3A, %ne3A_124 : i32
      %and3A_126 = arith.andi %ne3A, %ne3A_125 : i1
      %sub3A_127 = arith.constant 1 : i32
      %sub3A_128 = arith.subi %div3A, %sub3A_127 : i32
      %select_n3A = arith.select %and3A_126, %sub3A_128, %div3A : i32
      %xor3A_129 = arith.xori %reduce_min3A_57, %reduce_max3A_72 : i32
      %broadcast_in_dim3A_130 = vector.broadcast %xor3A_129 : i32 to vector<16xi32>
      %convert_element_type3A_131 = arith.sitofp %broadcast_in_dim3A_130 : vector<16xi32> to vector<16xf32>
      %bitcast3A_132 = vector.bitcast %convert_element_type3A_131 : vector<16xf32> to vector<16xi32>
      %shift_right_arithmetic3A_133 = arith.constant 23 : i32
      %shift_right_arithmetic3A_134 = vector.broadcast %shift_right_arithmetic3A_133 : i32 to vector<16xi32>
      %shift_right_arithmetic3A_135 = arith.shrsi %bitcast3A_132, %shift_right_arithmetic3A_134 : vector<16xi32>
      %and3A_136 = arith.constant 255 : i32
      %and3A_137 = vector.broadcast %and3A_136 : i32 to vector<16xi32>
      %and3A_138 = arith.andi %shift_right_arithmetic3A_135, %and3A_137 : vector<16xi32>
      %reduce_max3A_139 = arith.constant true
      %reduce_max3A_140 = vector.broadcast %reduce_max3A_139 : i1 to vector<16xi1>
      %reduce_max3A_141 = arith.constant -2147483648 : i32
      %reduce_max3A_142 = vector.broadcast %reduce_max3A_141 : i32 to vector<16xi32>
      %reduce_max3A_143 = arith.xori %and3A_138, %reduce_max3A_142 : vector<16xi32>
      %reduce_max3A_144 = tpu.scan <max>, %reduce_max3A_143 masked %reduce_max3A_140 : vector<16xi32>, vector<16xi1> -> vector<16xi32>
      %reduce_max3A_145 = arith.xori %reduce_max3A_144, %reduce_max3A_142 : vector<16xi32>
      %reduce_max3A_146 = vector.extract %reduce_max3A_145[15] : i32 from vector<16xi32>
      %sub3A_147 = arith.constant 127 : i32
      %sub3A_148 = arith.subi %reduce_max3A_146, %sub3A_147 : i32
      %add3A_149 = arith.constant 2 : i32
      %add3A_150 = arith.addi %sub3A_148, %add3A_149 : i32
      %jit3A_151 = arith.constant 0 : i32
      %jit3A_152 = arith.constant 32 : i32
      %max3A_153 = arith.maxsi %jit3A_151, %add3A_150 : i32
      %min3A_154 = arith.minsi %jit3A_152, %max3A_153 : i32
      %min3A_155 = arith.constant 31 : i32
      %min3A_156 = arith.minsi %min3A_154, %min3A_155 : i32
      %shift_left3A = arith.constant 1 : i32
      %shift_left3A_157 = arith.shli %shift_left3A, %min3A_156 : i32
      %sub3A_158 = arith.constant 1 : i32
      %sub3A_159 = arith.subi %shift_left3A_157, %sub3A_158 : i32
      %not3A = arith.constant -1 : i32
      %not3A_160 = arith.xori %sub3A_159, %not3A : i32
      %ge3A = arith.constant 32 : i32
      %ge3A_161 = arith.cmpi sge, %min3A_154, %ge3A : i32
      %xor3A_162 = arith.constant -2147483648 : i32
      %xor3A_163 = arith.xori %reduce_max3A_72, %xor3A_162 : i32
      %and3A_164 = arith.andi %xor3A_163, %not3A_160 : i32
      %jit3A_165 = arith.constant 0 : i32
      %select_n3A_166 = arith.select %ge3A_161, %jit3A_165, %and3A_164 : i32
      %sub3A_167 = arith.constant 32 : i32
      %sub3A_168 = arith.subi %sub3A_167, %min3A_154 : i32
      %while3A = arith.constant 32 : i32
      %while3A_169 = arith.subi %while3A, %sub3A_168 : i32
      %while3A_170 = arith.addi %sub3A_168, %while3A_169 : i32
      %while3A_171 = arith.constant 1 : i32
      %while3A_172 = arith.divsi %while3A_169, %while3A_171 : i32
      %while3A_173 = arith.muli %while3A_172, %while3A_171 : i32
      %while3A_174 = arith.addi %sub3A_168, %while3A_173 : i32
      %while3A_175 = arith.constant 1 : i32
      %while3A_176 = scf.for %while3A_296 = %sub3A_168 to %while3A_174 step %while3A_175 iter_args(%while3A_297 = %select_n3A_166) -> (i32)  : i32 {
        %sub3A_298 = arith.constant 31 : i32
        %sub3A_299 = arith.subi %sub3A_298, %while3A_296 : i32
        %shift_left3A_300 = arith.constant 1 : i32
        %shift_left3A_301 = arith.shli %shift_left3A_300, %sub3A_299 : i32
        %or3A = arith.ori %while3A_297, %shift_left3A_301 : i32
        %xor3A_302 = arith.constant -2147483648 : i32
        %xor3A_303 = arith.xori %or3A, %xor3A_302 : i32
        %broadcast_in_dim3A_304 = arith.constant 0 : i32
        %broadcast_in_dim3A_305 = vector.broadcast %broadcast_in_dim3A_304 : i32 to vector<16xi32>
        %while3A_306 = arith.constant 0 : i32
        %while3A_307 = arith.subi %select_n3A, %while3A_306 : i32
        %while3A_308 = arith.addi %while3A_306, %while3A_307 : i32
        %while3A_309 = arith.constant 1 : i32
        %while3A_310 = arith.divsi %while3A_307, %while3A_309 : i32
        %while3A_311 = arith.muli %while3A_310, %while3A_309 : i32
        %while3A_312 = arith.addi %while3A_306, %while3A_311 : i32
        %while3A_313 = arith.constant 1 : i32
        %while3A_314 = scf.for %while3A_324 = %while3A_306 to %while3A_312 step %while3A_313 iter_args(%while3A_325 = %broadcast_in_dim3A_305) -> (vector<16xi32>)  : i32 {
          %mul3A_326 = arith.constant 2 : i32
          %mul3A_327 = arith.muli %while3A_324, %mul3A_326 : i32
          %mul3A_328 = arith.constant 16 : i32
          %mul3A_329 = arith.muli %mul3A_327, %mul3A_328 : i32
          %get3A_330 = arith.index_cast %mul3A_329 : i32 to index
          %get3A_331 = tpu.vector_load %arg5[%get3A_330] {strides = array<i32>} : memref<32832xf32, #tpu.memory_space<vmem>>, vector<16xf32>,
          %bitcast3A_332 = vector.bitcast %get3A_331 : vector<16xf32> to vector<16xi32>
          %mul3A_333 = arith.constant 2 : i32
          %mul3A_334 = arith.muli %while3A_324, %mul3A_333 : i32
          %mul3A_335 = arith.constant 16 : i32
          %mul3A_336 = arith.muli %mul3A_334, %mul3A_335 : i32
          %add3A_337 = arith.constant 16 : i32
          %add3A_338 = arith.addi %mul3A_336, %add3A_337 : i32
          %get3A_339 = arith.index_cast %add3A_338 : i32 to index
          %get3A_340 = tpu.vector_load %arg5[%get3A_339] {strides = array<i32>} : memref<32832xf32, #tpu.memory_space<vmem>>, vector<16xf32>,
          %bitcast3A_341 = vector.bitcast %get3A_340 : vector<16xf32> to vector<16xi32>
          %ge3A_342 = vector.broadcast %xor3A_303 : i32 to vector<16xi32>
          %ge3A_343 = arith.cmpi sge, %bitcast3A_332, %ge3A_342 : vector<16xi32>
          %jit3A_344 = arith.constant 1 : i32
          %jit3A_345 = arith.constant 0 : i32
          %broadcast_in_dim3A_346 = vector.broadcast %jit3A_344 : i32 to vector<16xi32>
          %broadcast_in_dim3A_347 = vector.broadcast %jit3A_345 : i32 to vector<16xi32>
          %select_n3A_348 = arith.select %ge3A_343, %broadcast_in_dim3A_346, %broadcast_in_dim3A_347 : vector<16xi1>, vector<16xi32>
          %add3A_349 = arith.addi %while3A_325, %select_n3A_348 : vector<16xi32>
          %ge3A_350 = vector.broadcast %xor3A_303 : i32 to vector<16xi32>
          %ge3A_351 = arith.cmpi sge, %bitcast3A_341, %ge3A_350 : vector<16xi32>
          %jit3A_352 = arith.constant 1 : i32
          %jit3A_353 = arith.constant 0 : i32
          %broadcast_in_dim3A_354 = vector.broadcast %jit3A_352 : i32 to vector<16xi32>
          %broadcast_in_dim3A_355 = vector.broadcast %jit3A_353 : i32 to vector<16xi32>
          %select_n3A_356 = arith.select %ge3A_351, %broadcast_in_dim3A_354, %broadcast_in_dim3A_355 : vector<16xi1>, vector<16xi32>
          %add3A_357 = arith.addi %add3A_349, %select_n3A_356 : vector<16xi32>
          scf.yield %add3A_357 : vector<16xi32>
        }
        %while3A_315 = arith.constant 1 : i32
        %while3A_316 = scf.for %while3A_324 = %while3A_312 to %while3A_308 step %while3A_315 iter_args(%while3A_325 = %while3A_314) -> (vector<16xi32>)  : i32 {
          %mul3A_326 = arith.constant 2 : i32
          %mul3A_327 = arith.muli %while3A_324, %mul3A_326 : i32
          %mul3A_328 = arith.constant 16 : i32
          %mul3A_329 = arith.muli %mul3A_327, %mul3A_328 : i32
          %get3A_330 = arith.index_cast %mul3A_329 : i32 to index
          %get3A_331 = tpu.vector_load %arg5[%get3A_330] {strides = array<i32>} : memref<32832xf32, #tpu.memory_space<vmem>>, vector<16xf32>,
          %bitcast3A_332 = vector.bitcast %get3A_331 : vector<16xf32> to vector<16xi32>
          %mul3A_333 = arith.constant 2 : i32
          %mul3A_334 = arith.muli %while3A_324, %mul3A_333 : i32
          %mul3A_335 = arith.constant 16 : i32
          %mul3A_336 = arith.muli %mul3A_334, %mul3A_335 : i32
          %add3A_337 = arith.constant 16 : i32
          %add3A_338 = arith.addi %mul3A_336, %add3A_337 : i32
          %get3A_339 = arith.index_cast %add3A_338 : i32 to index
          %get3A_340 = tpu.vector_load %arg5[%get3A_339] {strides = array<i32>} : memref<32832xf32, #tpu.memory_space<vmem>>, vector<16xf32>,
          %bitcast3A_341 = vector.bitcast %get3A_340 : vector<16xf32> to vector<16xi32>
          %ge3A_342 = vector.broadcast %xor3A_303 : i32 to vector<16xi32>
          %ge3A_343 = arith.cmpi sge, %bitcast3A_332, %ge3A_342 : vector<16xi32>
          %jit3A_344 = arith.constant 1 : i32
          %jit3A_345 = arith.constant 0 : i32
          %broadcast_in_dim3A_346 = vector.broadcast %jit3A_344 : i32 to vector<16xi32>
          %broadcast_in_dim3A_347 = vector.broadcast %jit3A_345 : i32 to vector<16xi32>
          %select_n3A_348 = arith.select %ge3A_343, %broadcast_in_dim3A_346, %broadcast_in_dim3A_347 : vector<16xi1>, vector<16xi32>
          %add3A_349 = arith.addi %while3A_325, %select_n3A_348 : vector<16xi32>
          %ge3A_350 = vector.broadcast %xor3A_303 : i32 to vector<16xi32>
          %ge3A_351 = arith.cmpi sge, %bitcast3A_341, %ge3A_350 : vector<16xi32>
          %jit3A_352 = arith.constant 1 : i32
          %jit3A_353 = arith.constant 0 : i32
          %broadcast_in_dim3A_354 = vector.broadcast %jit3A_352 : i32 to vector<16xi32>
          %broadcast_in_dim3A_355 = vector.broadcast %jit3A_353 : i32 to vector<16xi32>
          %select_n3A_356 = arith.select %ge3A_351, %broadcast_in_dim3A_354, %broadcast_in_dim3A_355 : vector<16xi1>, vector<16xi32>
          %add3A_357 = arith.addi %add3A_349, %select_n3A_356 : vector<16xi32>
          scf.yield %add3A_357 : vector<16xi32>
        }
        %reduce_sum3A_317 = arith.constant true
        %reduce_sum3A_318 = vector.broadcast %reduce_sum3A_317 : i1 to vector<16xi1>
        %reduce_sum3A_319 = tpu.scan <sum>, %while3A_316 masked %reduce_sum3A_318 : vector<16xi32>, vector<16xi1> -> vector<16xi32>
        %reduce_sum3A_320 = vector.extract %reduce_sum3A_319[15] : i32 from vector<16xi32>
        %ge3A_321 = arith.constant 64 : i32
        %ge3A_322 = arith.cmpi sge, %reduce_sum3A_320, %ge3A_321 : i32
        %select_n3A_323 = arith.select %ge3A_322, %or3A, %while3A_297 : i32
        scf.yield %select_n3A_323 : i32
      }
      %while3A_177 = arith.constant 1 : i32
      %while3A_178 = scf.for %while3A_296 = %while3A_174 to %while3A_170 step %while3A_177 iter_args(%while3A_297 = %while3A_176) -> (i32)  : i32 {
        %sub3A_298 = arith.constant 31 : i32
        %sub3A_299 = arith.subi %sub3A_298, %while3A_296 : i32
        %shift_left3A_300 = arith.constant 1 : i32
        %shift_left3A_301 = arith.shli %shift_left3A_300, %sub3A_299 : i32
        %or3A = arith.ori %while3A_297, %shift_left3A_301 : i32
        %xor3A_302 = arith.constant -2147483648 : i32
        %xor3A_303 = arith.xori %or3A, %xor3A_302 : i32
        %broadcast_in_dim3A_304 = arith.constant 0 : i32
        %broadcast_in_dim3A_305 = vector.broadcast %broadcast_in_dim3A_304 : i32 to vector<16xi32>
        %while3A_306 = arith.constant 0 : i32
        %while3A_307 = arith.subi %select_n3A, %while3A_306 : i32
        %while3A_308 = arith.addi %while3A_306, %while3A_307 : i32
        %while3A_309 = arith.constant 1 : i32
        %while3A_310 = arith.divsi %while3A_307, %while3A_309 : i32
        %while3A_311 = arith.muli %while3A_310, %while3A_309 : i32
        %while3A_312 = arith.addi %while3A_306, %while3A_311 : i32
        %while3A_313 = arith.constant 1 : i32
        %while3A_314 = scf.for %while3A_324 = %while3A_306 to %while3A_312 step %while3A_313 iter_args(%while3A_325 = %broadcast_in_dim3A_305) -> (vector<16xi32>)  : i32 {
          %mul3A_326 = arith.constant 2 : i32
          %mul3A_327 = arith.muli %while3A_324, %mul3A_326 : i32
          %mul3A_328 = arith.constant 16 : i32
          %mul3A_329 = arith.muli %mul3A_327, %mul3A_328 : i32
          %get3A_330 = arith.index_cast %mul3A_329 : i32 to index
          %get3A_331 = tpu.vector_load %arg5[%get3A_330] {strides = array<i32>} : memref<32832xf32, #tpu.memory_space<vmem>>, vector<16xf32>,
          %bitcast3A_332 = vector.bitcast %get3A_331 : vector<16xf32> to vector<16xi32>
          %mul3A_333 = arith.constant 2 : i32
          %mul3A_334 = arith.muli %while3A_324, %mul3A_333 : i32
          %mul3A_335 = arith.constant 16 : i32
          %mul3A_336 = arith.muli %mul3A_334, %mul3A_335 : i32
          %add3A_337 = arith.constant 16 : i32
          %add3A_338 = arith.addi %mul3A_336, %add3A_337 : i32
          %get3A_339 = arith.index_cast %add3A_338 : i32 to index
          %get3A_340 = tpu.vector_load %arg5[%get3A_339] {strides = array<i32>} : memref<32832xf32, #tpu.memory_space<vmem>>, vector<16xf32>,
          %bitcast3A_341 = vector.bitcast %get3A_340 : vector<16xf32> to vector<16xi32>
          %ge3A_342 = vector.broadcast %xor3A_303 : i32 to vector<16xi32>
          %ge3A_343 = arith.cmpi sge, %bitcast3A_332, %ge3A_342 : vector<16xi32>
          %jit3A_344 = arith.constant 1 : i32
          %jit3A_345 = arith.constant 0 : i32
          %broadcast_in_dim3A_346 = vector.broadcast %jit3A_344 : i32 to vector<16xi32>
          %broadcast_in_dim3A_347 = vector.broadcast %jit3A_345 : i32 to vector<16xi32>
          %select_n3A_348 = arith.select %ge3A_343, %broadcast_in_dim3A_346, %broadcast_in_dim3A_347 : vector<16xi1>, vector<16xi32>
          %add3A_349 = arith.addi %while3A_325, %select_n3A_348 : vector<16xi32>
          %ge3A_350 = vector.broadcast %xor3A_303 : i32 to vector<16xi32>
          %ge3A_351 = arith.cmpi sge, %bitcast3A_341, %ge3A_350 : vector<16xi32>
          %jit3A_352 = arith.constant 1 : i32
          %jit3A_353 = arith.constant 0 : i32
          %broadcast_in_dim3A_354 = vector.broadcast %jit3A_352 : i32 to vector<16xi32>
          %broadcast_in_dim3A_355 = vector.broadcast %jit3A_353 : i32 to vector<16xi32>
          %select_n3A_356 = arith.select %ge3A_351, %broadcast_in_dim3A_354, %broadcast_in_dim3A_355 : vector<16xi1>, vector<16xi32>
          %add3A_357 = arith.addi %add3A_349, %select_n3A_356 : vector<16xi32>
          scf.yield %add3A_357 : vector<16xi32>
        }
        %while3A_315 = arith.constant 1 : i32
        %while3A_316 = scf.for %while3A_324 = %while3A_312 to %while3A_308 step %while3A_315 iter_args(%while3A_325 = %while3A_314) -> (vector<16xi32>)  : i32 {
          %mul3A_326 = arith.constant 2 : i32
          %mul3A_327 = arith.muli %while3A_324, %mul3A_326 : i32
          %mul3A_328 = arith.constant 16 : i32
          %mul3A_329 = arith.muli %mul3A_327, %mul3A_328 : i32
          %get3A_330 = arith.index_cast %mul3A_329 : i32 to index
          %get3A_331 = tpu.vector_load %arg5[%get3A_330] {strides = array<i32>} : memref<32832xf32, #tpu.memory_space<vmem>>, vector<16xf32>,
          %bitcast3A_332 = vector.bitcast %get3A_331 : vector<16xf32> to vector<16xi32>
          %mul3A_333 = arith.constant 2 : i32
          %mul3A_334 = arith.muli %while3A_324, %mul3A_333 : i32
          %mul3A_335 = arith.constant 16 : i32
          %mul3A_336 = arith.muli %mul3A_334, %mul3A_335 : i32
          %add3A_337 = arith.constant 16 : i32
          %add3A_338 = arith.addi %mul3A_336, %add3A_337 : i32
          %get3A_339 = arith.index_cast %add3A_338 : i32 to index
          %get3A_340 = tpu.vector_load %arg5[%get3A_339] {strides = array<i32>} : memref<32832xf32, #tpu.memory_space<vmem>>, vector<16xf32>,
          %bitcast3A_341 = vector.bitcast %get3A_340 : vector<16xf32> to vector<16xi32>
          %ge3A_342 = vector.broadcast %xor3A_303 : i32 to vector<16xi32>
          %ge3A_343 = arith.cmpi sge, %bitcast3A_332, %ge3A_342 : vector<16xi32>
          %jit3A_344 = arith.constant 1 : i32
          %jit3A_345 = arith.constant 0 : i32
          %broadcast_in_dim3A_346 = vector.broadcast %jit3A_344 : i32 to vector<16xi32>
          %broadcast_in_dim3A_347 = vector.broadcast %jit3A_345 : i32 to vector<16xi32>
          %select_n3A_348 = arith.select %ge3A_343, %broadcast_in_dim3A_346, %broadcast_in_dim3A_347 : vector<16xi1>, vector<16xi32>
          %add3A_349 = arith.addi %while3A_325, %select_n3A_348 : vector<16xi32>
          %ge3A_350 = vector.broadcast %xor3A_303 : i32 to vector<16xi32>
          %ge3A_351 = arith.cmpi sge, %bitcast3A_341, %ge3A_350 : vector<16xi32>
          %jit3A_352 = arith.constant 1 : i32
          %jit3A_353 = arith.constant 0 : i32
          %broadcast_in_dim3A_354 = vector.broadcast %jit3A_352 : i32 to vector<16xi32>
          %broadcast_in_dim3A_355 = vector.broadcast %jit3A_353 : i32 to vector<16xi32>
          %select_n3A_356 = arith.select %ge3A_351, %broadcast_in_dim3A_354, %broadcast_in_dim3A_355 : vector<16xi1>, vector<16xi32>
          %add3A_357 = arith.addi %add3A_349, %select_n3A_356 : vector<16xi32>
          scf.yield %add3A_357 : vector<16xi32>
        }
        %reduce_sum3A_317 = arith.constant true
        %reduce_sum3A_318 = vector.broadcast %reduce_sum3A_317 : i1 to vector<16xi1>
        %reduce_sum3A_319 = tpu.scan <sum>, %while3A_316 masked %reduce_sum3A_318 : vector<16xi32>, vector<16xi1> -> vector<16xi32>
        %reduce_sum3A_320 = vector.extract %reduce_sum3A_319[15] : i32 from vector<16xi32>
        %ge3A_321 = arith.constant 64 : i32
        %ge3A_322 = arith.cmpi sge, %reduce_sum3A_320, %ge3A_321 : i32
        %select_n3A_323 = arith.select %ge3A_322, %or3A, %while3A_297 : i32
        scf.yield %select_n3A_323 : i32
      }
      %xor3A_179 = arith.constant -2147483648 : i32
      %xor3A_180 = arith.xori %while3A_178, %xor3A_179 : i32
      %broadcast_in_dim3A_181 = arith.constant 0 : i32
      %broadcast_in_dim3A_182 = vector.broadcast %broadcast_in_dim3A_181 : i32 to vector<16xi32>
      %while3A_183 = arith.constant 0 : i32
      %while3A_184 = arith.subi %select_n3A, %while3A_183 : i32
      %while3A_185 = arith.addi %while3A_183, %while3A_184 : i32
      %while3A_186 = arith.constant 1 : i32
      %while3A_187 = arith.divsi %while3A_184, %while3A_186 : i32
      %while3A_188 = arith.muli %while3A_187, %while3A_186 : i32
      %while3A_189 = arith.addi %while3A_183, %while3A_188 : i32
      %while3A_190 = arith.constant 1 : i32
      %while3A_191 = scf.for %while3A_296 = %while3A_183 to %while3A_189 step %while3A_190 iter_args(%while3A_297 = %broadcast_in_dim3A_182) -> (vector<16xi32>)  : i32 {
        %mul3A_298 = arith.constant 2 : i32
        %mul3A_299 = arith.muli %while3A_296, %mul3A_298 : i32
        %mul3A_300 = arith.constant 16 : i32
        %mul3A_301 = arith.muli %mul3A_299, %mul3A_300 : i32
        %get3A_302 = arith.index_cast %mul3A_301 : i32 to index
        %get3A_303 = tpu.vector_load %arg5[%get3A_302] {strides = array<i32>} : memref<32832xf32, #tpu.memory_space<vmem>>, vector<16xf32>,
        %bitcast3A_304 = vector.bitcast %get3A_303 : vector<16xf32> to vector<16xi32>
        %mul3A_305 = arith.constant 2 : i32
        %mul3A_306 = arith.muli %while3A_296, %mul3A_305 : i32
        %mul3A_307 = arith.constant 16 : i32
        %mul3A_308 = arith.muli %mul3A_306, %mul3A_307 : i32
        %add3A_309 = arith.constant 16 : i32
        %add3A_310 = arith.addi %mul3A_308, %add3A_309 : i32
        %get3A_311 = arith.index_cast %add3A_310 : i32 to index
        %get3A_312 = tpu.vector_load %arg5[%get3A_311] {strides = array<i32>} : memref<32832xf32, #tpu.memory_space<vmem>>, vector<16xf32>,
        %bitcast3A_313 = vector.bitcast %get3A_312 : vector<16xf32> to vector<16xi32>
        %gt3A_314 = vector.broadcast %xor3A_180 : i32 to vector<16xi32>
        %gt3A_315 = arith.cmpi sgt, %bitcast3A_304, %gt3A_314 : vector<16xi32>
        %jit3A_316 = arith.constant 1 : i32
        %jit3A_317 = arith.constant 0 : i32
        %broadcast_in_dim3A_318 = vector.broadcast %jit3A_316 : i32 to vector<16xi32>
        %broadcast_in_dim3A_319 = vector.broadcast %jit3A_317 : i32 to vector<16xi32>
        %select_n3A_320 = arith.select %gt3A_315, %broadcast_in_dim3A_318, %broadcast_in_dim3A_319 : vector<16xi1>, vector<16xi32>
        %add3A_321 = arith.addi %while3A_297, %select_n3A_320 : vector<16xi32>
        %gt3A_322 = vector.broadcast %xor3A_180 : i32 to vector<16xi32>
        %gt3A_323 = arith.cmpi sgt, %bitcast3A_313, %gt3A_322 : vector<16xi32>
        %jit3A_324 = arith.constant 1 : i32
        %jit3A_325 = arith.constant 0 : i32
        %broadcast_in_dim3A_326 = vector.broadcast %jit3A_324 : i32 to vector<16xi32>
        %broadcast_in_dim3A_327 = vector.broadcast %jit3A_325 : i32 to vector<16xi32>
        %select_n3A_328 = arith.select %gt3A_323, %broadcast_in_dim3A_326, %broadcast_in_dim3A_327 : vector<16xi1>, vector<16xi32>
        %add3A_329 = arith.addi %add3A_321, %select_n3A_328 : vector<16xi32>
        scf.yield %add3A_329 : vector<16xi32>
      }
      %while3A_192 = arith.constant 1 : i32
      %while3A_193 = scf.for %while3A_296 = %while3A_189 to %while3A_185 step %while3A_192 iter_args(%while3A_297 = %while3A_191) -> (vector<16xi32>)  : i32 {
        %mul3A_298 = arith.constant 2 : i32
        %mul3A_299 = arith.muli %while3A_296, %mul3A_298 : i32
        %mul3A_300 = arith.constant 16 : i32
        %mul3A_301 = arith.muli %mul3A_299, %mul3A_300 : i32
        %get3A_302 = arith.index_cast %mul3A_301 : i32 to index
        %get3A_303 = tpu.vector_load %arg5[%get3A_302] {strides = array<i32>} : memref<32832xf32, #tpu.memory_space<vmem>>, vector<16xf32>,
        %bitcast3A_304 = vector.bitcast %get3A_303 : vector<16xf32> to vector<16xi32>
        %mul3A_305 = arith.constant 2 : i32
        %mul3A_306 = arith.muli %while3A_296, %mul3A_305 : i32
        %mul3A_307 = arith.constant 16 : i32
        %mul3A_308 = arith.muli %mul3A_306, %mul3A_307 : i32
        %add3A_309 = arith.constant 16 : i32
        %add3A_310 = arith.addi %mul3A_308, %add3A_309 : i32
        %get3A_311 = arith.index_cast %add3A_310 : i32 to index
        %get3A_312 = tpu.vector_load %arg5[%get3A_311] {strides = array<i32>} : memref<32832xf32, #tpu.memory_space<vmem>>, vector<16xf32>,
        %bitcast3A_313 = vector.bitcast %get3A_312 : vector<16xf32> to vector<16xi32>
        %gt3A_314 = vector.broadcast %xor3A_180 : i32 to vector<16xi32>
        %gt3A_315 = arith.cmpi sgt, %bitcast3A_304, %gt3A_314 : vector<16xi32>
        %jit3A_316 = arith.constant 1 : i32
        %jit3A_317 = arith.constant 0 : i32
        %broadcast_in_dim3A_318 = vector.broadcast %jit3A_316 : i32 to vector<16xi32>
        %broadcast_in_dim3A_319 = vector.broadcast %jit3A_317 : i32 to vector<16xi32>
        %select_n3A_320 = arith.select %gt3A_315, %broadcast_in_dim3A_318, %broadcast_in_dim3A_319 : vector<16xi1>, vector<16xi32>
        %add3A_321 = arith.addi %while3A_297, %select_n3A_320 : vector<16xi32>
        %gt3A_322 = vector.broadcast %xor3A_180 : i32 to vector<16xi32>
        %gt3A_323 = arith.cmpi sgt, %bitcast3A_313, %gt3A_322 : vector<16xi32>
        %jit3A_324 = arith.constant 1 : i32
        %jit3A_325 = arith.constant 0 : i32
        %broadcast_in_dim3A_326 = vector.broadcast %jit3A_324 : i32 to vector<16xi32>
        %broadcast_in_dim3A_327 = vector.broadcast %jit3A_325 : i32 to vector<16xi32>
        %select_n3A_328 = arith.select %gt3A_323, %broadcast_in_dim3A_326, %broadcast_in_dim3A_327 : vector<16xi1>, vector<16xi32>
        %add3A_329 = arith.addi %add3A_321, %select_n3A_328 : vector<16xi32>
        scf.yield %add3A_329 : vector<16xi32>
      }
      %reduce_sum3A = arith.constant true
      %reduce_sum3A_194 = vector.broadcast %reduce_sum3A : i1 to vector<16xi1>
      %reduce_sum3A_195 = tpu.scan <sum>, %while3A_193 masked %reduce_sum3A_194 : vector<16xi32>, vector<16xi1> -> vector<16xi32>
      %reduce_sum3A_196 = vector.extract %reduce_sum3A_195[15] : i32 from vector<16xi32>
      %broadcast_in_dim3A_197 = arith.constant 0 : i32
      %broadcast_in_dim3A_198 = vector.broadcast %broadcast_in_dim3A_197 : i32 to vector<16xi32>
      %while3A_199 = arith.constant 0 : i32
      %while3A_200 = arith.subi %select_n3A, %while3A_199 : i32
      %while3A_201 = arith.addi %while3A_199, %while3A_200 : i32
      %while3A_202 = arith.constant 1 : i32
      %while3A_203 = arith.divsi %while3A_200, %while3A_202 : i32
      %while3A_204 = arith.muli %while3A_203, %while3A_202 : i32
      %while3A_205 = arith.addi %while3A_199, %while3A_204 : i32
      %while3A_206 = arith.constant 1 : i32
      %while3A_207 = scf.for %while3A_296 = %while3A_199 to %while3A_205 step %while3A_206 iter_args(%while3A_297 = %broadcast_in_dim3A_198) -> (vector<16xi32>)  : i32 {
        %mul3A_298 = arith.constant 2 : i32
        %mul3A_299 = arith.muli %while3A_296, %mul3A_298 : i32
        %mul3A_300 = arith.constant 16 : i32
        %mul3A_301 = arith.muli %mul3A_299, %mul3A_300 : i32
        %get3A_302 = arith.index_cast %mul3A_301 : i32 to index
        %get3A_303 = tpu.vector_load %arg5[%get3A_302] {strides = array<i32>} : memref<32832xf32, #tpu.memory_space<vmem>>, vector<16xf32>,
        %bitcast3A_304 = vector.bitcast %get3A_303 : vector<16xf32> to vector<16xi32>
        %mul3A_305 = arith.constant 2 : i32
        %mul3A_306 = arith.muli %while3A_296, %mul3A_305 : i32
        %mul3A_307 = arith.constant 16 : i32
        %mul3A_308 = arith.muli %mul3A_306, %mul3A_307 : i32
        %add3A_309 = arith.constant 16 : i32
        %add3A_310 = arith.addi %mul3A_308, %add3A_309 : i32
        %get3A_311 = arith.index_cast %add3A_310 : i32 to index
        %get3A_312 = tpu.vector_load %arg5[%get3A_311] {strides = array<i32>} : memref<32832xf32, #tpu.memory_space<vmem>>, vector<16xf32>,
        %bitcast3A_313 = vector.bitcast %get3A_312 : vector<16xf32> to vector<16xi32>
        %eq3A_314 = vector.broadcast %xor3A_180 : i32 to vector<16xi32>
        %eq3A_315 = arith.cmpi eq, %bitcast3A_304, %eq3A_314 : vector<16xi32>
        %jit3A_316 = arith.constant 1 : i32
        %jit3A_317 = arith.constant 0 : i32
        %broadcast_in_dim3A_318 = vector.broadcast %jit3A_316 : i32 to vector<16xi32>
        %broadcast_in_dim3A_319 = vector.broadcast %jit3A_317 : i32 to vector<16xi32>
        %select_n3A_320 = arith.select %eq3A_315, %broadcast_in_dim3A_318, %broadcast_in_dim3A_319 : vector<16xi1>, vector<16xi32>
        %add3A_321 = arith.addi %while3A_297, %select_n3A_320 : vector<16xi32>
        %eq3A_322 = vector.broadcast %xor3A_180 : i32 to vector<16xi32>
        %eq3A_323 = arith.cmpi eq, %bitcast3A_313, %eq3A_322 : vector<16xi32>
        %jit3A_324 = arith.constant 1 : i32
        %jit3A_325 = arith.constant 0 : i32
        %broadcast_in_dim3A_326 = vector.broadcast %jit3A_324 : i32 to vector<16xi32>
        %broadcast_in_dim3A_327 = vector.broadcast %jit3A_325 : i32 to vector<16xi32>
        %select_n3A_328 = arith.select %eq3A_323, %broadcast_in_dim3A_326, %broadcast_in_dim3A_327 : vector<16xi1>, vector<16xi32>
        %add3A_329 = arith.addi %add3A_321, %select_n3A_328 : vector<16xi32>
        scf.yield %add3A_329 : vector<16xi32>
      }
      %while3A_208 = arith.constant 1 : i32
      %while3A_209 = scf.for %while3A_296 = %while3A_205 to %while3A_201 step %while3A_208 iter_args(%while3A_297 = %while3A_207) -> (vector<16xi32>)  : i32 {
        %mul3A_298 = arith.constant 2 : i32
        %mul3A_299 = arith.muli %while3A_296, %mul3A_298 : i32
        %mul3A_300 = arith.constant 16 : i32
        %mul3A_301 = arith.muli %mul3A_299, %mul3A_300 : i32
        %get3A_302 = arith.index_cast %mul3A_301 : i32 to index
        %get3A_303 = tpu.vector_load %arg5[%get3A_302] {strides = array<i32>} : memref<32832xf32, #tpu.memory_space<vmem>>, vector<16xf32>,
        %bitcast3A_304 = vector.bitcast %get3A_303 : vector<16xf32> to vector<16xi32>
        %mul3A_305 = arith.constant 2 : i32
        %mul3A_306 = arith.muli %while3A_296, %mul3A_305 : i32
        %mul3A_307 = arith.constant 16 : i32
        %mul3A_308 = arith.muli %mul3A_306, %mul3A_307 : i32
        %add3A_309 = arith.constant 16 : i32
        %add3A_310 = arith.addi %mul3A_308, %add3A_309 : i32
        %get3A_311 = arith.index_cast %add3A_310 : i32 to index
        %get3A_312 = tpu.vector_load %arg5[%get3A_311] {strides = array<i32>} : memref<32832xf32, #tpu.memory_space<vmem>>, vector<16xf32>,
        %bitcast3A_313 = vector.bitcast %get3A_312 : vector<16xf32> to vector<16xi32>
        %eq3A_314 = vector.broadcast %xor3A_180 : i32 to vector<16xi32>
        %eq3A_315 = arith.cmpi eq, %bitcast3A_304, %eq3A_314 : vector<16xi32>
        %jit3A_316 = arith.constant 1 : i32
        %jit3A_317 = arith.constant 0 : i32
        %broadcast_in_dim3A_318 = vector.broadcast %jit3A_316 : i32 to vector<16xi32>
        %broadcast_in_dim3A_319 = vector.broadcast %jit3A_317 : i32 to vector<16xi32>
        %select_n3A_320 = arith.select %eq3A_315, %broadcast_in_dim3A_318, %broadcast_in_dim3A_319 : vector<16xi1>, vector<16xi32>
        %add3A_321 = arith.addi %while3A_297, %select_n3A_320 : vector<16xi32>
        %eq3A_322 = vector.broadcast %xor3A_180 : i32 to vector<16xi32>
        %eq3A_323 = arith.cmpi eq, %bitcast3A_313, %eq3A_322 : vector<16xi32>
        %jit3A_324 = arith.constant 1 : i32
        %jit3A_325 = arith.constant 0 : i32
        %broadcast_in_dim3A_326 = vector.broadcast %jit3A_324 : i32 to vector<16xi32>
        %broadcast_in_dim3A_327 = vector.broadcast %jit3A_325 : i32 to vector<16xi32>
        %select_n3A_328 = arith.select %eq3A_323, %broadcast_in_dim3A_326, %broadcast_in_dim3A_327 : vector<16xi1>, vector<16xi32>
        %add3A_329 = arith.addi %add3A_321, %select_n3A_328 : vector<16xi32>
        scf.yield %add3A_329 : vector<16xi32>
      }
      %reduce_sum3A_210 = arith.constant true
      %reduce_sum3A_211 = vector.broadcast %reduce_sum3A_210 : i1 to vector<16xi1>
      %reduce_sum3A_212 = tpu.scan <sum>, %while3A_209 masked %reduce_sum3A_211 : vector<16xi32>, vector<16xi1> -> vector<16xi32>
      %reduce_sum3A_213 = vector.extract %reduce_sum3A_212[15] : i32 from vector<16xi32>
      %sub3A_214 = arith.constant 64 : i32
      %sub3A_215 = arith.subi %sub3A_214, %reduce_sum3A_196 : i32
      %eq3A = arith.cmpi eq, %reduce_sum3A_213, %sub3A_215 : i32
      %convert_element_type3A_216 = arith.extui %eq3A : i1 to i32
      %cond3A_217 = arith.constant 0 : i32
      %cond3A_218 = arith.cmpi ne, %convert_element_type3A_216, %cond3A_217 : i32
      %cond3A_219 = scf.if %cond3A_218 -> (i32) {
        %cond3A_296 = arith.constant 32768 : i32
        scf.yield %cond3A_296 : i32
      } else {
        %scan3A_296 = arith.constant 0 : i32
        %scan3A_297 = arith.constant 0 : i32
        %scan3A_298 = arith.constant 16 : i32
        %scan3A_299 = arith.addi %scan3A_297, %scan3A_298 : i32
        %scan3A_300 = arith.constant 1 : i32
        %scan3A_301 = scf.for %scan3A_303 = %scan3A_297 to %scan3A_299 step %scan3A_300 iter_args(%scan3A_304 = %scan3A_296) -> (i32)  : i32 {
          %sub3A_305 = arith.constant 15 : i32
          %sub3A_306 = arith.subi %sub3A_305, %scan3A_303 : i32
          %shift_left3A_307 = arith.constant 1 : i32
          %shift_left3A_308 = arith.shli %shift_left3A_307, %sub3A_306 : i32
          %or3A = arith.ori %scan3A_304, %shift_left3A_308 : i32
          %broadcast_in_dim3A_309 = arith.constant 0 : i32
          %broadcast_in_dim3A_310 = vector.broadcast %broadcast_in_dim3A_309 : i32 to vector<16xi32>
          %while3A_311 = arith.constant 0 : i32
          %while3A_312 = arith.subi %select_n3A, %while3A_311 : i32
          %while3A_313 = arith.addi %while3A_311, %while3A_312 : i32
          %while3A_314 = arith.constant 1 : i32
          %while3A_315 = arith.divsi %while3A_312, %while3A_314 : i32
          %while3A_316 = arith.muli %while3A_315, %while3A_314 : i32
          %while3A_317 = arith.addi %while3A_311, %while3A_316 : i32
          %while3A_318 = arith.constant 1 : i32
          %while3A_319 = scf.for %while3A_327 = %while3A_311 to %while3A_317 step %while3A_318 iter_args(%while3A_328 = %broadcast_in_dim3A_310) -> (vector<16xi32>)  : i32 {
            %mul3A_329 = arith.constant 2 : i32
            %mul3A_330 = arith.muli %while3A_327, %mul3A_329 : i32
            %mul3A_331 = arith.constant 16 : i32
            %mul3A_332 = arith.muli %mul3A_330, %mul3A_331 : i32
            %get3A_333 = arith.index_cast %mul3A_332 : i32 to index
            %get3A_334 = tpu.vector_load %arg5[%get3A_333] {strides = array<i32>} : memref<32832xf32, #tpu.memory_space<vmem>>, vector<16xf32>,
            %bitcast3A_335 = vector.bitcast %get3A_334 : vector<16xf32> to vector<16xi32>
            %mul3A_336 = arith.constant 2 : i32
            %mul3A_337 = arith.muli %while3A_327, %mul3A_336 : i32
            %mul3A_338 = arith.constant 16 : i32
            %mul3A_339 = arith.muli %mul3A_337, %mul3A_338 : i32
            %get3A_340 = arith.index_cast %mul3A_339 : i32 to index
            %get3A_341 = tpu.vector_load %arg6[%get3A_340] {strides = array<i32>} : memref<32832xi32, #tpu.memory_space<vmem>>, vector<16xi32>,
            %mul3A_342 = arith.constant 2 : i32
            %mul3A_343 = arith.muli %while3A_327, %mul3A_342 : i32
            %mul3A_344 = arith.constant 16 : i32
            %mul3A_345 = arith.muli %mul3A_343, %mul3A_344 : i32
            %add3A_346 = arith.constant 16 : i32
            %add3A_347 = arith.addi %mul3A_345, %add3A_346 : i32
            %get3A_348 = arith.index_cast %add3A_347 : i32 to index
            %get3A_349 = tpu.vector_load %arg5[%get3A_348] {strides = array<i32>} : memref<32832xf32, #tpu.memory_space<vmem>>, vector<16xf32>,
            %bitcast3A_350 = vector.bitcast %get3A_349 : vector<16xf32> to vector<16xi32>
            %mul3A_351 = arith.constant 2 : i32
            %mul3A_352 = arith.muli %while3A_327, %mul3A_351 : i32
            %mul3A_353 = arith.constant 16 : i32
            %mul3A_354 = arith.muli %mul3A_352, %mul3A_353 : i32
            %add3A_355 = arith.constant 16 : i32
            %add3A_356 = arith.addi %mul3A_354, %add3A_355 : i32
            %get3A_357 = arith.index_cast %add3A_356 : i32 to index
            %get3A_358 = tpu.vector_load %arg6[%get3A_357] {strides = array<i32>} : memref<32832xi32, #tpu.memory_space<vmem>>, vector<16xi32>,
            %eq3A_359 = vector.broadcast %xor3A_180 : i32 to vector<16xi32>
            %eq3A_360 = arith.cmpi eq, %bitcast3A_335, %eq3A_359 : vector<16xi32>
            %lt3A_361 = vector.broadcast %or3A : i32 to vector<16xi32>
            %lt3A_362 = arith.cmpi slt, %get3A_341, %lt3A_361 : vector<16xi32>
            %and3A_363 = arith.andi %eq3A_360, %lt3A_362 : vector<16xi1>
            %jit3A_364 = arith.constant 1 : i32
            %jit3A_365 = arith.constant 0 : i32
            %broadcast_in_dim3A_366 = vector.broadcast %jit3A_364 : i32 to vector<16xi32>
            %broadcast_in_dim3A_367 = vector.broadcast %jit3A_365 : i32 to vector<16xi32>
            %select_n3A_368 = arith.select %and3A_363, %broadcast_in_dim3A_366, %broadcast_in_dim3A_367 : vector<16xi1>, vector<16xi32>
            %add3A_369 = arith.addi %while3A_328, %select_n3A_368 : vector<16xi32>
            %eq3A_370 = vector.broadcast %xor3A_180 : i32 to vector<16xi32>
            %eq3A_371 = arith.cmpi eq, %bitcast3A_350, %eq3A_370 : vector<16xi32>
            %lt3A_372 = vector.broadcast %or3A : i32 to vector<16xi32>
            %lt3A_373 = arith.cmpi slt, %get3A_358, %lt3A_372 : vector<16xi32>
            %and3A_374 = arith.andi %eq3A_371, %lt3A_373 : vector<16xi1>
            %jit3A_375 = arith.constant 1 : i32
            %jit3A_376 = arith.constant 0 : i32
            %broadcast_in_dim3A_377 = vector.broadcast %jit3A_375 : i32 to vector<16xi32>
            %broadcast_in_dim3A_378 = vector.broadcast %jit3A_376 : i32 to vector<16xi32>
            %select_n3A_379 = arith.select %and3A_374, %broadcast_in_dim3A_377, %broadcast_in_dim3A_378 : vector<16xi1>, vector<16xi32>
            %add3A_380 = arith.addi %add3A_369, %select_n3A_379 : vector<16xi32>
            scf.yield %add3A_380 : vector<16xi32>
          }
          %while3A_320 = arith.constant 1 : i32
          %while3A_321 = scf.for %while3A_327 = %while3A_317 to %while3A_313 step %while3A_320 iter_args(%while3A_328 = %while3A_319) -> (vector<16xi32>)  : i32 {
            %mul3A_329 = arith.constant 2 : i32
            %mul3A_330 = arith.muli %while3A_327, %mul3A_329 : i32
            %mul3A_331 = arith.constant 16 : i32
            %mul3A_332 = arith.muli %mul3A_330, %mul3A_331 : i32
            %get3A_333 = arith.index_cast %mul3A_332 : i32 to index
            %get3A_334 = tpu.vector_load %arg5[%get3A_333] {strides = array<i32>} : memref<32832xf32, #tpu.memory_space<vmem>>, vector<16xf32>,
            %bitcast3A_335 = vector.bitcast %get3A_334 : vector<16xf32> to vector<16xi32>
            %mul3A_336 = arith.constant 2 : i32
            %mul3A_337 = arith.muli %while3A_327, %mul3A_336 : i32
            %mul3A_338 = arith.constant 16 : i32
            %mul3A_339 = arith.muli %mul3A_337, %mul3A_338 : i32
            %get3A_340 = arith.index_cast %mul3A_339 : i32 to index
            %get3A_341 = tpu.vector_load %arg6[%get3A_340] {strides = array<i32>} : memref<32832xi32, #tpu.memory_space<vmem>>, vector<16xi32>,
            %mul3A_342 = arith.constant 2 : i32
            %mul3A_343 = arith.muli %while3A_327, %mul3A_342 : i32
            %mul3A_344 = arith.constant 16 : i32
            %mul3A_345 = arith.muli %mul3A_343, %mul3A_344 : i32
            %add3A_346 = arith.constant 16 : i32
            %add3A_347 = arith.addi %mul3A_345, %add3A_346 : i32
            %get3A_348 = arith.index_cast %add3A_347 : i32 to index
            %get3A_349 = tpu.vector_load %arg5[%get3A_348] {strides = array<i32>} : memref<32832xf32, #tpu.memory_space<vmem>>, vector<16xf32>,
            %bitcast3A_350 = vector.bitcast %get3A_349 : vector<16xf32> to vector<16xi32>
            %mul3A_351 = arith.constant 2 : i32
            %mul3A_352 = arith.muli %while3A_327, %mul3A_351 : i32
            %mul3A_353 = arith.constant 16 : i32
            %mul3A_354 = arith.muli %mul3A_352, %mul3A_353 : i32
            %add3A_355 = arith.constant 16 : i32
            %add3A_356 = arith.addi %mul3A_354, %add3A_355 : i32
            %get3A_357 = arith.index_cast %add3A_356 : i32 to index
            %get3A_358 = tpu.vector_load %arg6[%get3A_357] {strides = array<i32>} : memref<32832xi32, #tpu.memory_space<vmem>>, vector<16xi32>,
            %eq3A_359 = vector.broadcast %xor3A_180 : i32 to vector<16xi32>
            %eq3A_360 = arith.cmpi eq, %bitcast3A_335, %eq3A_359 : vector<16xi32>
            %lt3A_361 = vector.broadcast %or3A : i32 to vector<16xi32>
            %lt3A_362 = arith.cmpi slt, %get3A_341, %lt3A_361 : vector<16xi32>
            %and3A_363 = arith.andi %eq3A_360, %lt3A_362 : vector<16xi1>
            %jit3A_364 = arith.constant 1 : i32
            %jit3A_365 = arith.constant 0 : i32
            %broadcast_in_dim3A_366 = vector.broadcast %jit3A_364 : i32 to vector<16xi32>
            %broadcast_in_dim3A_367 = vector.broadcast %jit3A_365 : i32 to vector<16xi32>
            %select_n3A_368 = arith.select %and3A_363, %broadcast_in_dim3A_366, %broadcast_in_dim3A_367 : vector<16xi1>, vector<16xi32>
            %add3A_369 = arith.addi %while3A_328, %select_n3A_368 : vector<16xi32>
            %eq3A_370 = vector.broadcast %xor3A_180 : i32 to vector<16xi32>
            %eq3A_371 = arith.cmpi eq, %bitcast3A_350, %eq3A_370 : vector<16xi32>
            %lt3A_372 = vector.broadcast %or3A : i32 to vector<16xi32>
            %lt3A_373 = arith.cmpi slt, %get3A_358, %lt3A_372 : vector<16xi32>
            %and3A_374 = arith.andi %eq3A_371, %lt3A_373 : vector<16xi1>
            %jit3A_375 = arith.constant 1 : i32
            %jit3A_376 = arith.constant 0 : i32
            %broadcast_in_dim3A_377 = vector.broadcast %jit3A_375 : i32 to vector<16xi32>
            %broadcast_in_dim3A_378 = vector.broadcast %jit3A_376 : i32 to vector<16xi32>
            %select_n3A_379 = arith.select %and3A_374, %broadcast_in_dim3A_377, %broadcast_in_dim3A_378 : vector<16xi1>, vector<16xi32>
            %add3A_380 = arith.addi %add3A_369, %select_n3A_379 : vector<16xi32>
            scf.yield %add3A_380 : vector<16xi32>
          }
          %reduce_sum3A_322 = arith.constant true
          %reduce_sum3A_323 = vector.broadcast %reduce_sum3A_322 : i1 to vector<16xi1>
          %reduce_sum3A_324 = tpu.scan <sum>, %while3A_321 masked %reduce_sum3A_323 : vector<16xi32>, vector<16xi1> -> vector<16xi32>
          %reduce_sum3A_325 = vector.extract %reduce_sum3A_324[15] : i32 from vector<16xi32>
          %le3A = arith.cmpi sle, %reduce_sum3A_325, %sub3A_215 : i32
          %select_n3A_326 = arith.select %le3A, %or3A, %scan3A_304 : i32
          scf.yield %select_n3A_326 : i32
        }
        %scan3A_302 = arith.constant 16 : i32
        scf.yield %scan3A_301 : i32
      }
      %while3A_220 = arith.constant 0 : i32
      %while3A_221 = arith.constant 0 : i32
      %while3A_222 = arith.subi %select_n3A, %while3A_220 : i32
      %while3A_223 = arith.addi %while3A_220, %while3A_222 : i32
      %while3A_224 = arith.constant 1 : i32
      %while3A_225 = arith.divsi %while3A_222, %while3A_224 : i32
      %while3A_226 = arith.muli %while3A_225, %while3A_224 : i32
      %while3A_227 = arith.addi %while3A_220, %while3A_226 : i32
      %while3A_228 = arith.constant 1 : i32
      %while3A_229 = scf.for %while3A_296 = %while3A_220 to %while3A_227 step %while3A_228 iter_args(%while3A_297 = %while3A_221) -> (i32)  : i32 {
        %mul3A_298 = arith.constant 2 : i32
        %mul3A_299 = arith.muli %while3A_296, %mul3A_298 : i32
        %mul3A_300 = arith.constant 16 : i32
        %mul3A_301 = arith.muli %mul3A_299, %mul3A_300 : i32
        %add3A_302 = arith.constant 0 : i32
        %add3A_303 = arith.addi %mul3A_301, %add3A_302 : i32
        %get3A_304 = arith.index_cast %add3A_303 : i32 to index
        %get3A_305 = tpu.vector_load %arg5[%get3A_304] {strides = array<i32>} : memref<32832xf32, #tpu.memory_space<vmem>>, vector<16xf32>,
        %bitcast3A_306 = vector.bitcast %get3A_305 : vector<16xf32> to vector<16xi32>
        %mul3A_307 = arith.constant 2 : i32
        %mul3A_308 = arith.muli %while3A_296, %mul3A_307 : i32
        %mul3A_309 = arith.constant 16 : i32
        %mul3A_310 = arith.muli %mul3A_308, %mul3A_309 : i32
        %add3A_311 = arith.constant 0 : i32
        %add3A_312 = arith.addi %mul3A_310, %add3A_311 : i32
        %get3A_313 = arith.index_cast %add3A_312 : i32 to index
        %get3A_314 = tpu.vector_load %arg6[%get3A_313] {strides = array<i32>} : memref<32832xi32, #tpu.memory_space<vmem>>, vector<16xi32>,
        %gt3A_315 = vector.broadcast %xor3A_180 : i32 to vector<16xi32>
        %gt3A_316 = arith.cmpi sgt, %bitcast3A_306, %gt3A_315 : vector<16xi32>
        %eq3A_317 = vector.broadcast %xor3A_180 : i32 to vector<16xi32>
        %eq3A_318 = arith.cmpi eq, %bitcast3A_306, %eq3A_317 : vector<16xi32>
        %lt3A_319 = vector.broadcast %cond3A_219 : i32 to vector<16xi32>
        %lt3A_320 = arith.cmpi slt, %get3A_314, %lt3A_319 : vector<16xi32>
        %and3A_321 = arith.andi %eq3A_318, %lt3A_320 : vector<16xi1>
        %or3A = arith.ori %gt3A_316, %and3A_321 : vector<16xi1>
        %shift_right_arithmetic3A_322 = arith.constant 31 : i32
        %shift_right_arithmetic3A_323 = vector.broadcast %shift_right_arithmetic3A_322 : i32 to vector<16xi32>
        %shift_right_arithmetic3A_324 = arith.shrsi %bitcast3A_306, %shift_right_arithmetic3A_323 : vector<16xi32>
        %and3A_325 = arith.constant 2147483647 : i32
        %and3A_326 = vector.broadcast %and3A_325 : i32 to vector<16xi32>
        %and3A_327 = arith.andi %shift_right_arithmetic3A_324, %and3A_326 : vector<16xi32>
        %xor3A_328 = arith.xori %bitcast3A_306, %and3A_327 : vector<16xi32>
        %bitcast3A_329 = vector.bitcast %xor3A_328 : vector<16xi32> to vector<16xf32>
        %max3A_330 = arith.constant 0.000000e+00 : f32
        %max3A_331 = vector.broadcast %max3A_330 : f32 to vector<16xf32>
        %max3A_332 = arith.maximumf %bitcast3A_329, %max3A_331 : vector<16xf32>
        %swap3A_333 = arith.index_cast %while3A_297 : i32 to index
        %swap3A_334 = tpu.vector_load %arg7[%swap3A_333] masked %or3A {strides = array<i32>} : memref<80xf32, #tpu.memory_space<vmem>>, vector<16xf32>, vector<16xi1>
        tpu.vector_store %arg7[%swap3A_333], %max3A_332 masked %or3A {strides = array<i32>} : memref<80xf32, #tpu.memory_space<vmem>>, vector<16xf32>, vector<16xi1>
        %swap3A_335 = arith.index_cast %while3A_297 : i32 to index
        %swap3A_336 = tpu.vector_load %arg8[%swap3A_335] masked %or3A {strides = array<i32>} : memref<80xi32, #tpu.memory_space<vmem>>, vector<16xi32>, vector<16xi1>
        tpu.vector_store %arg8[%swap3A_335], %get3A_314 masked %or3A {strides = array<i32>} : memref<80xi32, #tpu.memory_space<vmem>>, vector<16xi32>, vector<16xi1>
        %all_reduce_population_count3A = tpu.all_reduce %or3A {dim = 0 : i64, kind = #tpu.reduction_kind<sum>} : vector<16xi1> -> vector<16xi32>
        %slice3A = vector.extract_strided_slice %all_reduce_population_count3A {offsets = [0], sizes = [1], strides = [1]} : vector<16xi32> to vector<1xi32>
        %squeeze3A = vector.extract %slice3A[0] : i32 from vector<1xi32>
        %add3A_337 = arith.addi %while3A_297, %squeeze3A : i32
        %mul3A_338 = arith.constant 2 : i32
        %mul3A_339 = arith.muli %while3A_296, %mul3A_338 : i32
        %mul3A_340 = arith.constant 16 : i32
        %mul3A_341 = arith.muli %mul3A_339, %mul3A_340 : i32
        %add3A_342 = arith.constant 16 : i32
        %add3A_343 = arith.addi %mul3A_341, %add3A_342 : i32
        %get3A_344 = arith.index_cast %add3A_343 : i32 to index
        %get3A_345 = tpu.vector_load %arg5[%get3A_344] {strides = array<i32>} : memref<32832xf32, #tpu.memory_space<vmem>>, vector<16xf32>,
        %bitcast3A_346 = vector.bitcast %get3A_345 : vector<16xf32> to vector<16xi32>
        %mul3A_347 = arith.constant 2 : i32
        %mul3A_348 = arith.muli %while3A_296, %mul3A_347 : i32
        %mul3A_349 = arith.constant 16 : i32
        %mul3A_350 = arith.muli %mul3A_348, %mul3A_349 : i32
        %add3A_351 = arith.constant 16 : i32
        %add3A_352 = arith.addi %mul3A_350, %add3A_351 : i32
        %get3A_353 = arith.index_cast %add3A_352 : i32 to index
        %get3A_354 = tpu.vector_load %arg6[%get3A_353] {strides = array<i32>} : memref<32832xi32, #tpu.memory_space<vmem>>, vector<16xi32>,
        %gt3A_355 = vector.broadcast %xor3A_180 : i32 to vector<16xi32>
        %gt3A_356 = arith.cmpi sgt, %bitcast3A_346, %gt3A_355 : vector<16xi32>
        %eq3A_357 = vector.broadcast %xor3A_180 : i32 to vector<16xi32>
        %eq3A_358 = arith.cmpi eq, %bitcast3A_346, %eq3A_357 : vector<16xi32>
        %lt3A_359 = vector.broadcast %cond3A_219 : i32 to vector<16xi32>
        %lt3A_360 = arith.cmpi slt, %get3A_354, %lt3A_359 : vector<16xi32>
        %and3A_361 = arith.andi %eq3A_358, %lt3A_360 : vector<16xi1>
        %or3A_362 = arith.ori %gt3A_356, %and3A_361 : vector<16xi1>
        %shift_right_arithmetic3A_363 = arith.constant 31 : i32
        %shift_right_arithmetic3A_364 = vector.broadcast %shift_right_arithmetic3A_363 : i32 to vector<16xi32>
        %shift_right_arithmetic3A_365 = arith.shrsi %bitcast3A_346, %shift_right_arithmetic3A_364 : vector<16xi32>
        %and3A_366 = arith.constant 2147483647 : i32
        %and3A_367 = vector.broadcast %and3A_366 : i32 to vector<16xi32>
        %and3A_368 = arith.andi %shift_right_arithmetic3A_365, %and3A_367 : vector<16xi32>
        %xor3A_369 = arith.xori %bitcast3A_346, %and3A_368 : vector<16xi32>
        %bitcast3A_370 = vector.bitcast %xor3A_369 : vector<16xi32> to vector<16xf32>
        %max3A_371 = arith.constant 0.000000e+00 : f32
        %max3A_372 = vector.broadcast %max3A_371 : f32 to vector<16xf32>
        %max3A_373 = arith.maximumf %bitcast3A_370, %max3A_372 : vector<16xf32>
        %swap3A_374 = arith.index_cast %add3A_337 : i32 to index
        %swap3A_375 = tpu.vector_load %arg7[%swap3A_374] masked %or3A_362 {strides = array<i32>} : memref<80xf32, #tpu.memory_space<vmem>>, vector<16xf32>, vector<16xi1>
        tpu.vector_store %arg7[%swap3A_374], %max3A_373 masked %or3A_362 {strides = array<i32>} : memref<80xf32, #tpu.memory_space<vmem>>, vector<16xf32>, vector<16xi1>
        %swap3A_376 = arith.index_cast %add3A_337 : i32 to index
        %swap3A_377 = tpu.vector_load %arg8[%swap3A_376] masked %or3A_362 {strides = array<i32>} : memref<80xi32, #tpu.memory_space<vmem>>, vector<16xi32>, vector<16xi1>
        tpu.vector_store %arg8[%swap3A_376], %get3A_354 masked %or3A_362 {strides = array<i32>} : memref<80xi32, #tpu.memory_space<vmem>>, vector<16xi32>, vector<16xi1>
        %all_reduce_population_count3A_378 = tpu.all_reduce %or3A_362 {dim = 0 : i64, kind = #tpu.reduction_kind<sum>} : vector<16xi1> -> vector<16xi32>
        %slice3A_379 = vector.extract_strided_slice %all_reduce_population_count3A_378 {offsets = [0], sizes = [1], strides = [1]} : vector<16xi32> to vector<1xi32>
        %squeeze3A_380 = vector.extract %slice3A_379[0] : i32 from vector<1xi32>
        %add3A_381 = arith.addi %add3A_337, %squeeze3A_380 : i32
        scf.yield %add3A_381 : i32
      }
      %while3A_230 = arith.constant 1 : i32
      %while3A_231 = scf.for %while3A_296 = %while3A_227 to %while3A_223 step %while3A_230 iter_args(%while3A_297 = %while3A_229) -> (i32)  : i32 {
        %mul3A_298 = arith.constant 2 : i32
        %mul3A_299 = arith.muli %while3A_296, %mul3A_298 : i32
        %mul3A_300 = arith.constant 16 : i32
        %mul3A_301 = arith.muli %mul3A_299, %mul3A_300 : i32
        %add3A_302 = arith.constant 0 : i32
        %add3A_303 = arith.addi %mul3A_301, %add3A_302 : i32
        %get3A_304 = arith.index_cast %add3A_303 : i32 to index
        %get3A_305 = tpu.vector_load %arg5[%get3A_304] {strides = array<i32>} : memref<32832xf32, #tpu.memory_space<vmem>>, vector<16xf32>,
        %bitcast3A_306 = vector.bitcast %get3A_305 : vector<16xf32> to vector<16xi32>
        %mul3A_307 = arith.constant 2 : i32
        %mul3A_308 = arith.muli %while3A_296, %mul3A_307 : i32
        %mul3A_309 = arith.constant 16 : i32
        %mul3A_310 = arith.muli %mul3A_308, %mul3A_309 : i32
        %add3A_311 = arith.constant 0 : i32
        %add3A_312 = arith.addi %mul3A_310, %add3A_311 : i32
        %get3A_313 = arith.index_cast %add3A_312 : i32 to index
        %get3A_314 = tpu.vector_load %arg6[%get3A_313] {strides = array<i32>} : memref<32832xi32, #tpu.memory_space<vmem>>, vector<16xi32>,
        %gt3A_315 = vector.broadcast %xor3A_180 : i32 to vector<16xi32>
        %gt3A_316 = arith.cmpi sgt, %bitcast3A_306, %gt3A_315 : vector<16xi32>
        %eq3A_317 = vector.broadcast %xor3A_180 : i32 to vector<16xi32>
        %eq3A_318 = arith.cmpi eq, %bitcast3A_306, %eq3A_317 : vector<16xi32>
        %lt3A_319 = vector.broadcast %cond3A_219 : i32 to vector<16xi32>
        %lt3A_320 = arith.cmpi slt, %get3A_314, %lt3A_319 : vector<16xi32>
        %and3A_321 = arith.andi %eq3A_318, %lt3A_320 : vector<16xi1>
        %or3A = arith.ori %gt3A_316, %and3A_321 : vector<16xi1>
        %shift_right_arithmetic3A_322 = arith.constant 31 : i32
        %shift_right_arithmetic3A_323 = vector.broadcast %shift_right_arithmetic3A_322 : i32 to vector<16xi32>
        %shift_right_arithmetic3A_324 = arith.shrsi %bitcast3A_306, %shift_right_arithmetic3A_323 : vector<16xi32>
        %and3A_325 = arith.constant 2147483647 : i32
        %and3A_326 = vector.broadcast %and3A_325 : i32 to vector<16xi32>
        %and3A_327 = arith.andi %shift_right_arithmetic3A_324, %and3A_326 : vector<16xi32>
        %xor3A_328 = arith.xori %bitcast3A_306, %and3A_327 : vector<16xi32>
        %bitcast3A_329 = vector.bitcast %xor3A_328 : vector<16xi32> to vector<16xf32>
        %max3A_330 = arith.constant 0.000000e+00 : f32
        %max3A_331 = vector.broadcast %max3A_330 : f32 to vector<16xf32>
        %max3A_332 = arith.maximumf %bitcast3A_329, %max3A_331 : vector<16xf32>
        %swap3A_333 = arith.index_cast %while3A_297 : i32 to index
        %swap3A_334 = tpu.vector_load %arg7[%swap3A_333] masked %or3A {strides = array<i32>} : memref<80xf32, #tpu.memory_space<vmem>>, vector<16xf32>, vector<16xi1>
        tpu.vector_store %arg7[%swap3A_333], %max3A_332 masked %or3A {strides = array<i32>} : memref<80xf32, #tpu.memory_space<vmem>>, vector<16xf32>, vector<16xi1>
        %swap3A_335 = arith.index_cast %while3A_297 : i32 to index
        %swap3A_336 = tpu.vector_load %arg8[%swap3A_335] masked %or3A {strides = array<i32>} : memref<80xi32, #tpu.memory_space<vmem>>, vector<16xi32>, vector<16xi1>
        tpu.vector_store %arg8[%swap3A_335], %get3A_314 masked %or3A {strides = array<i32>} : memref<80xi32, #tpu.memory_space<vmem>>, vector<16xi32>, vector<16xi1>
        %all_reduce_population_count3A = tpu.all_reduce %or3A {dim = 0 : i64, kind = #tpu.reduction_kind<sum>} : vector<16xi1> -> vector<16xi32>
        %slice3A = vector.extract_strided_slice %all_reduce_population_count3A {offsets = [0], sizes = [1], strides = [1]} : vector<16xi32> to vector<1xi32>
        %squeeze3A = vector.extract %slice3A[0] : i32 from vector<1xi32>
        %add3A_337 = arith.addi %while3A_297, %squeeze3A : i32
        %mul3A_338 = arith.constant 2 : i32
        %mul3A_339 = arith.muli %while3A_296, %mul3A_338 : i32
        %mul3A_340 = arith.constant 16 : i32
        %mul3A_341 = arith.muli %mul3A_339, %mul3A_340 : i32
        %add3A_342 = arith.constant 16 : i32
        %add3A_343 = arith.addi %mul3A_341, %add3A_342 : i32
        %get3A_344 = arith.index_cast %add3A_343 : i32 to index
        %get3A_345 = tpu.vector_load %arg5[%get3A_344] {strides = array<i32>} : memref<32832xf32, #tpu.memory_space<vmem>>, vector<16xf32>,
        %bitcast3A_346 = vector.bitcast %get3A_345 : vector<16xf32> to vector<16xi32>
        %mul3A_347 = arith.constant 2 : i32
        %mul3A_348 = arith.muli %while3A_296, %mul3A_347 : i32
        %mul3A_349 = arith.constant 16 : i32
        %mul3A_350 = arith.muli %mul3A_348, %mul3A_349 : i32
        %add3A_351 = arith.constant 16 : i32
        %add3A_352 = arith.addi %mul3A_350, %add3A_351 : i32
        %get3A_353 = arith.index_cast %add3A_352 : i32 to index
        %get3A_354 = tpu.vector_load %arg6[%get3A_353] {strides = array<i32>} : memref<32832xi32, #tpu.memory_space<vmem>>, vector<16xi32>,
        %gt3A_355 = vector.broadcast %xor3A_180 : i32 to vector<16xi32>
        %gt3A_356 = arith.cmpi sgt, %bitcast3A_346, %gt3A_355 : vector<16xi32>
        %eq3A_357 = vector.broadcast %xor3A_180 : i32 to vector<16xi32>
        %eq3A_358 = arith.cmpi eq, %bitcast3A_346, %eq3A_357 : vector<16xi32>
        %lt3A_359 = vector.broadcast %cond3A_219 : i32 to vector<16xi32>
        %lt3A_360 = arith.cmpi slt, %get3A_354, %lt3A_359 : vector<16xi32>
        %and3A_361 = arith.andi %eq3A_358, %lt3A_360 : vector<16xi1>
        %or3A_362 = arith.ori %gt3A_356, %and3A_361 : vector<16xi1>
        %shift_right_arithmetic3A_363 = arith.constant 31 : i32
        %shift_right_arithmetic3A_364 = vector.broadcast %shift_right_arithmetic3A_363 : i32 to vector<16xi32>
        %shift_right_arithmetic3A_365 = arith.shrsi %bitcast3A_346, %shift_right_arithmetic3A_364 : vector<16xi32>
        %and3A_366 = arith.constant 2147483647 : i32
        %and3A_367 = vector.broadcast %and3A_366 : i32 to vector<16xi32>
        %and3A_368 = arith.andi %shift_right_arithmetic3A_365, %and3A_367 : vector<16xi32>
        %xor3A_369 = arith.xori %bitcast3A_346, %and3A_368 : vector<16xi32>
        %bitcast3A_370 = vector.bitcast %xor3A_369 : vector<16xi32> to vector<16xf32>
        %max3A_371 = arith.constant 0.000000e+00 : f32
        %max3A_372 = vector.broadcast %max3A_371 : f32 to vector<16xf32>
        %max3A_373 = arith.maximumf %bitcast3A_370, %max3A_372 : vector<16xf32>
        %swap3A_374 = arith.index_cast %add3A_337 : i32 to index
        %swap3A_375 = tpu.vector_load %arg7[%swap3A_374] masked %or3A_362 {strides = array<i32>} : memref<80xf32, #tpu.memory_space<vmem>>, vector<16xf32>, vector<16xi1>
        tpu.vector_store %arg7[%swap3A_374], %max3A_373 masked %or3A_362 {strides = array<i32>} : memref<80xf32, #tpu.memory_space<vmem>>, vector<16xf32>, vector<16xi1>
        %swap3A_376 = arith.index_cast %add3A_337 : i32 to index
        %swap3A_377 = tpu.vector_load %arg8[%swap3A_376] masked %or3A_362 {strides = array<i32>} : memref<80xi32, #tpu.memory_space<vmem>>, vector<16xi32>, vector<16xi1>
        tpu.vector_store %arg8[%swap3A_376], %get3A_354 masked %or3A_362 {strides = array<i32>} : memref<80xi32, #tpu.memory_space<vmem>>, vector<16xi32>, vector<16xi1>
        %all_reduce_population_count3A_378 = tpu.all_reduce %or3A_362 {dim = 0 : i64, kind = #tpu.reduction_kind<sum>} : vector<16xi1> -> vector<16xi32>
        %slice3A_379 = vector.extract_strided_slice %all_reduce_population_count3A_378 {offsets = [0], sizes = [1], strides = [1]} : vector<16xi32> to vector<1xi32>
        %squeeze3A_380 = vector.extract %slice3A_379[0] : i32 from vector<1xi32>
        %add3A_381 = arith.addi %add3A_337, %squeeze3A_380 : i32
        scf.yield %add3A_381 : i32
      }
      %add3A_232 = arith.constant 64 : i32
      %add3A_233 = arith.addi %scan3A_83, %add3A_232 : i32
      %add3A_234 = arith.constant 32 : i32
      %add3A_235 = arith.addi %add3A_233, %add3A_234 : i32
      %sub3A_236 = arith.constant 1 : i32
      %sub3A_237 = arith.subi %add3A_235, %sub3A_236 : i32
      %jit3A_238 = arith.constant 32 : i32
      %div3A_239 = arith.divsi %sub3A_237, %jit3A_238 : i32
      %sign3A_240 = arith.constant 0 : i32
      %sign3A_241 = arith.cmpi sgt, %sub3A_237, %sign3A_240 : i32
      %sign3A_242 = arith.extui %sign3A_241 : i1 to i32
      %sign3A_243 = arith.constant 0 : i32
      %sign3A_244 = arith.cmpi slt, %sub3A_237, %sign3A_243 : i32
      %sign3A_245 = arith.extui %sign3A_244 : i1 to i32
      %sign3A_246 = arith.subi %sign3A_242, %sign3A_245 : i32
      %sign3A_247 = arith.constant 0 : i32
      %sign3A_248 = arith.cmpi sgt, %jit3A_238, %sign3A_247 : i32
      %sign3A_249 = arith.extui %sign3A_248 : i1 to i32
      %sign3A_250 = arith.constant 0 : i32
      %sign3A_251 = arith.cmpi slt, %jit3A_238, %sign3A_250 : i32
      %sign3A_252 = arith.extui %sign3A_251 : i1 to i32
      %sign3A_253 = arith.subi %sign3A_249, %sign3A_252 : i32
      %ne3A_254 = arith.cmpi ne, %sign3A_246, %sign3A_253 : i32
      %rem3A_255 = arith.remsi %sub3A_237, %jit3A_238 : i32
      %ne3A_256 = arith.constant 0 : i32
      %ne3A_257 = arith.cmpi ne, %rem3A_255, %ne3A_256 : i32
      %and3A_258 = arith.andi %ne3A_254, %ne3A_257 : i1
      %sub3A_259 = arith.constant 1 : i32
      %sub3A_260 = arith.subi %div3A_239, %sub3A_259 : i32
      %select_n3A_261 = arith.select %and3A_258, %sub3A_260, %div3A_239 : i32
      %while3A_262 = arith.constant 0 : i32
      %while3A_263 = arith.constant 0 : i32
      %while3A_264 = arith.subi %select_n3A_261, %while3A_263 : i32
      %while3A_265 = arith.addi %while3A_263, %while3A_264 : i32
      %while3A_266 = arith.constant 1 : i32
      %while3A_267 = arith.divsi %while3A_264, %while3A_266 : i32
      %while3A_268 = arith.muli %while3A_267, %while3A_266 : i32
      %while3A_269 = arith.addi %while3A_263, %while3A_268 : i32
      %while3A_270 = arith.constant 1 : i32
      scf.for %while3A_296 = %while3A_263 to %while3A_269 step %while3A_270  : i32 {
        %mul3A_297 = arith.constant 2 : i32
        %mul3A_298 = arith.muli %while3A_296, %mul3A_297 : i32
        %mul3A_299 = arith.constant 16 : i32
        %mul3A_300 = arith.muli %mul3A_298, %mul3A_299 : i32
        %swap3A_301 = arith.index_cast %mul3A_300 : i32 to index
        %swap3A_302 = tpu.vector_load %arg5[%swap3A_301] {strides = array<i32>} : memref<32832xf32, #tpu.memory_space<vmem>>, vector<16xf32>,
        tpu.vector_store %arg5[%swap3A_301], %broadcast_in_dim3A_1 {strides = array<i32>} : memref<32832xf32, #tpu.memory_space<vmem>>, vector<16xf32>,
        %mul3A_303 = arith.constant 2 : i32
        %mul3A_304 = arith.muli %while3A_296, %mul3A_303 : i32
        %mul3A_305 = arith.constant 16 : i32
        %mul3A_306 = arith.muli %mul3A_304, %mul3A_305 : i32
        %add3A_307 = arith.constant 16 : i32
        %add3A_308 = arith.addi %mul3A_306, %add3A_307 : i32
        %swap3A_309 = arith.index_cast %add3A_308 : i32 to index
        %swap3A_310 = tpu.vector_load %arg5[%swap3A_309] {strides = array<i32>} : memref<32832xf32, #tpu.memory_space<vmem>>, vector<16xf32>,
        tpu.vector_store %arg5[%swap3A_309], %broadcast_in_dim3A_1 {strides = array<i32>} : memref<32832xf32, #tpu.memory_space<vmem>>, vector<16xf32>,
      }
      %while3A_271 = arith.constant 1 : i32
      scf.for %while3A_296 = %while3A_269 to %while3A_265 step %while3A_271  : i32 {
        %mul3A_297 = arith.constant 2 : i32
        %mul3A_298 = arith.muli %while3A_296, %mul3A_297 : i32
        %mul3A_299 = arith.constant 16 : i32
        %mul3A_300 = arith.muli %mul3A_298, %mul3A_299 : i32
        %swap3A_301 = arith.index_cast %mul3A_300 : i32 to index
        %swap3A_302 = tpu.vector_load %arg5[%swap3A_301] {strides = array<i32>} : memref<32832xf32, #tpu.memory_space<vmem>>, vector<16xf32>,
        tpu.vector_store %arg5[%swap3A_301], %broadcast_in_dim3A_1 {strides = array<i32>} : memref<32832xf32, #tpu.memory_space<vmem>>, vector<16xf32>,
        %mul3A_303 = arith.constant 2 : i32
        %mul3A_304 = arith.muli %while3A_296, %mul3A_303 : i32
        %mul3A_305 = arith.constant 16 : i32
        %mul3A_306 = arith.muli %mul3A_304, %mul3A_305 : i32
        %add3A_307 = arith.constant 16 : i32
        %add3A_308 = arith.addi %mul3A_306, %add3A_307 : i32
        %swap3A_309 = arith.index_cast %add3A_308 : i32 to index
        %swap3A_310 = tpu.vector_load %arg5[%swap3A_309] {strides = array<i32>} : memref<32832xf32, #tpu.memory_space<vmem>>, vector<16xf32>,
        tpu.vector_store %arg5[%swap3A_309], %broadcast_in_dim3A_1 {strides = array<i32>} : memref<32832xf32, #tpu.memory_space<vmem>>, vector<16xf32>,
      }
      %get3A = arith.constant 0 : index
      %get3A_272 = tpu.vector_load %arg8[%get3A] {strides = array<i32>} : memref<80xi32, #tpu.memory_space<vmem>>, vector<16xi32>,
      %get3A_273 = arith.constant 0 : index
      %get3A_274 = tpu.vector_load %arg7[%get3A_273] {strides = array<i32>} : memref<80xf32, #tpu.memory_space<vmem>>, vector<16xf32>,
      tpu.vector_store_idx %arg5[%get3A_272], %get3A_274 : memref<32832xf32, #tpu.memory_space<vmem>>[vector<16xi32>], vector<16xf32>,
      %get3A_275 = arith.constant 16 : index
      %get3A_276 = tpu.vector_load %arg8[%get3A_275] {strides = array<i32>} : memref<80xi32, #tpu.memory_space<vmem>>, vector<16xi32>,
      %get3A_277 = arith.constant 16 : index
      %get3A_278 = tpu.vector_load %arg7[%get3A_277] {strides = array<i32>} : memref<80xf32, #tpu.memory_space<vmem>>, vector<16xf32>,
      tpu.vector_store_idx %arg5[%get3A_276], %get3A_278 : memref<32832xf32, #tpu.memory_space<vmem>>[vector<16xi32>], vector<16xf32>,
      %get3A_279 = arith.constant 32 : index
      %get3A_280 = tpu.vector_load %arg8[%get3A_279] {strides = array<i32>} : memref<80xi32, #tpu.memory_space<vmem>>, vector<16xi32>,
      %get3A_281 = arith.constant 32 : index
      %get3A_282 = tpu.vector_load %arg7[%get3A_281] {strides = array<i32>} : memref<80xf32, #tpu.memory_space<vmem>>, vector<16xf32>,
      tpu.vector_store_idx %arg5[%get3A_280], %get3A_282 : memref<32832xf32, #tpu.memory_space<vmem>>[vector<16xi32>], vector<16xf32>,
      %get3A_283 = arith.constant 48 : index
      %get3A_284 = tpu.vector_load %arg8[%get3A_283] {strides = array<i32>} : memref<80xi32, #tpu.memory_space<vmem>>, vector<16xi32>,
      %get3A_285 = arith.constant 48 : index
      %get3A_286 = tpu.vector_load %arg7[%get3A_285] {strides = array<i32>} : memref<80xf32, #tpu.memory_space<vmem>>, vector<16xf32>,
      tpu.vector_store_idx %arg5[%get3A_284], %get3A_286 : memref<32832xf32, #tpu.memory_space<vmem>>[vector<16xi32>], vector<16xf32>,
      %dma_start3A = arith.constant 0 : i32
      %dma_start3A_287 = tpu.memref_slice %arg5[%dma_start3A] : memref<32832xf32, #tpu.memory_space<vmem>> -> memref<32768xf32, #tpu.memory_space<vmem>>
      %dma_start3A_288 = arith.constant 0 : i32
      %dma_start3A_289 = tpu.memref_slice %arg3[%add3A_28, %dma_start3A_288] : memref<128x32768xf32, #tpu.memory_space<hbm>> -> memref<1x32768xf32, #tpu.memory_space<hbm>>
      %dma_start3A_290 = tpu.memref_squeeze %dma_start3A_289 : memref<1x32768xf32, #tpu.memory_space<hbm>> -> memref<32768xf32, #tpu.memory_space<hbm>>
      %dma_start3A_291 = arith.constant 0 : i32
      %dma_start3A_292 = tpu.memref_slice %arg3[%add3A_28, %dma_start3A_291] : memref<128x32768xf32, #tpu.memory_space<hbm>> -> memref<1x32768xf32, #tpu.memory_space<hbm>>
      %dma_start3A_293 = tpu.memref_squeeze %dma_start3A_292 : memref<1x32768xf32, #tpu.memory_space<hbm>> -> memref<32768xf32, #tpu.memory_space<hbm>>
      %dma_start3A_294 = arith.constant 0 : i32
      %dma_start3A_295 = tpu.memref_slice %arg5[%dma_start3A_294] : memref<32832xf32, #tpu.memory_space<vmem>> -> memref<32768xf32, #tpu.memory_space<vmem>>
      tpu.enqueue_dma source(%dma_start3A_295 : memref<32768xf32, #tpu.memory_space<vmem>>) target(%dma_start3A_293 : memref<32768xf32, #tpu.memory_space<hbm>>) target_semaphore(%arg10 : memref<!tpu.dma_semaphore, #tpu.memory_space<semaphore_mem>>)
    }
    %scan3A_14 = arith.constant 4 : i32
    %add3A_15 = arith.constant 4 : i32
    %add3A_16 = arith.addi %mul3A_3, %add3A_15 : i32
    %sub3A = arith.constant 1 : i32
    %sub3A_17 = arith.subi %add3A_16, %sub3A : i32
    %dma_wait3A = arith.constant 0 : i32
    %dma_wait3A_18 = tpu.memref_slice %arg5[%dma_wait3A] : memref<32832xf32, #tpu.memory_space<vmem>> -> memref<32768xf32, #tpu.memory_space<vmem>>
    %dma_wait3A_19 = arith.constant 0 : i32
    %dma_wait3A_20 = tpu.memref_slice %arg3[%sub3A_17, %dma_wait3A_19] : memref<128x32768xf32, #tpu.memory_space<hbm>> -> memref<1x32768xf32, #tpu.memory_space<hbm>>
    %dma_wait3A_21 = tpu.memref_squeeze %dma_wait3A_20 : memref<1x32768xf32, #tpu.memory_space<hbm>> -> memref<32768xf32, #tpu.memory_space<hbm>>
    %dma_wait3A_22 = arith.constant 0 : i32
    %dma_wait3A_23 = tpu.memref_slice %arg3[%sub3A_17, %dma_wait3A_22] : memref<128x32768xf32, #tpu.memory_space<hbm>> -> memref<1x32768xf32, #tpu.memory_space<hbm>>
    %dma_wait3A_24 = tpu.memref_squeeze %dma_wait3A_23 : memref<1x32768xf32, #tpu.memory_space<hbm>> -> memref<32768xf32, #tpu.memory_space<hbm>>
    %dma_wait3A_25 = arith.constant 0 : i32
    %dma_wait3A_26 = tpu.memref_slice %arg5[%dma_wait3A_25] : memref<32832xf32, #tpu.memory_space<vmem>> -> memref<32768xf32, #tpu.memory_space<vmem>>
    tpu.wait_dma2 semaphore(%arg10 : memref<!tpu.dma_semaphore, #tpu.memory_space<semaphore_mem>>) src(%dma_wait3A_26 : memref<32768xf32, #tpu.memory_space<vmem>>) dst(%dma_wait3A_24 : memref<32768xf32, #tpu.memory_space<hbm>>)
    return
  }
}

</mosaic_0001>

<sc_bundles>
// kernel: kernel.3.cloned.1.call-start
scs
__scs_entry_jumppad:
0x0: {  	(pc) =	sbr.rel $0x88, $3  }
0x1: {  	(tag) =	ssettag $0x0;
	lr =	simm.s32 $0x1  }
0x2: {  	[smem:$0x3FA0] =	sst lr;
	_ =	strace $0xD0000000  }
0x3: {  	_ = 	snop  }
0x4: {  	_ = 	snop  }
0x5: {  	_ = 	snop  }
0x6: {  	_ = 	snop  }
0x7: {  	_ = 	snop  }
__scs_overlays_trampoline_lowered:
0x8: {  	[smem:$0x3FAF] =	sst s0  }
0x9: {  	[smem:$0x3FB0] =	sst s1  }
0xa: {  	[smem:$0x3FB1] =	sst s2  }
0xb: {  	[smem:$0x3FB2] =	sst s3  }
0xc: {  	[smem:$0x3FB3] =	sst s4  }
0xd: {  	[smem:$0x3FB4] =	sst s5  }
0xe: {  	[smem:$0x3FB5] =	sst s6  }
0xf: {  	[smem:$0x3FB6] =	sst s7  }
0x10: {  	[smem:$0x3FB7] =	sst s8  }
0x11: {  	[smem:$0x3FB8] =	sst s9;
	s0 =	simm.s32 @!p0 $0x0  }
0x12: {  	s1 =	sld [smem:$0x3F9E];
	s0 =	simm.s32 @p0 $0x1  }
0x13: {  	[smem:$0x3FB9] =	sst s0;
	s0 =	simm.s32 @!p1 $0x0  }
0x14: {  	s2 =	sld [smem:$0x3F9D];
	s0 =	simm.s32 @p1 $0x1  }
0x15: {  	[smem:$0x3FBA] =	sst s0;
	s0 =	simm.s32 @!p2 $0x0  }
0x16: {  	s3 =	sld [smem:$0x3FDB];
	s0 =	simm.s32 @p2 $0x1  }
0x17: {  	s4 =	simm.s32 $0x1BF5;
	[smem:$0x3FBC] =	sst s0  }
0x18: {  	s0 =	sld [smem:$0x3F9F];
	_ =	swait.ge [sflag:s4], $0x0  }
0x19: {  	s7 =	sld [smem:$0x3FA0]  }
0x1a: {  	s8 =	sadd.s32 $0xFFFFE003, lr  }
0x1b: {  	s9 =	sadd.s32 $0xFFFFFEF7, lr;
	s5 =	simm.s32 $0xFFFFFFFF;
	p2 =	slt.u32 s8, $0xFFFFF086  }
0x1c: {  	p1 =	slt.u32 s9, $0xF7A;
	s5 =	simm.s32 @!p2 $0x0  }
0x1d: {  	s5 =	simm.s32 @p1 $0x1;
	p0 =	seq.s32 s7, s2  }
0x1e: {  	s7 =	smul.u32 @!p0 $0xF7A, s2;
	p2 =	seq.s32 @!p0 s5, $0x0  }
0x1f: {  	s9 =	smul.u32 $0xF7A, s1;
	s8 =	simm.s32 @!p0 $0x1BF5;
	p2 =	por !p2, p0  }
0x20: {  	[sflag:s8] =	ssyncset.s32 @!p0 $0xFFFFF086;
	s6 =	sadd.s32 @!p0 s3, s7;
	s7 =	simm.s32 @!p0 $0x108  }
0x21: {  	s3 =	sadd.s32 s3, s9;
	s6 =	sadd.s32 @!p0 $0x88, s6;
	s7 =	simm.s32 @p2 $0x1082  }
0x22: {  	[simem:s7], [sflag:s8] =	dma.local @!p0 [hbm:s6], $0xF7A  }
0x23: {  	s9 =	sor.u32 $0xD0000000, s2;
	s6 =	simm.s32 $0x108;
	_ =	swait.ge @!p0 [sflag:s8], $0x0  }
0x24: {  	s3 =	sadd.s32 $0x88, s3;
	s6 =	simm.s32 @!p1 $0x1082;
	[sflag:s4] =	ssyncset.s32 $0xFFFFF086  }
0x25: {  	[simem:s6], [sflag:s4] =	dma.local [hbm:s3], $0xF7A  }
0x26: {  	[smem:$0x3FA0] =	sst s1;
	(tag) =	ssettag s2;
	_ =	strace s9  }
0x27: {  	s1 =	sld [smem:$0x3FB0]  }
0x28: {  	s2 =	sld [smem:$0x3FB1]  }
0x29: {  	s4 =	sld [smem:$0x3FB3]  }
0x2a: {  	p0 =	seq.s32 s5, $0x0;
	s5 =	sld [smem:$0x3FB4]  }
0x2b: {  	s6 =	sld [smem:$0x3FB5]  }
0x2c: {  	s7 =	sld [smem:$0x3FB6]  }
0x2d: {  	s3 =	simm.s32 $0x108;
	s8 =	sld [smem:$0x3FB7]  }
0x2e: {  	s3 =	simm.s32 @!p0 $0x1082;
	s9 =	sld [smem:$0x3FB8]  }
0x2f: {  	lr =	sadd.s32 s0, s3;
	s0 =	sld [smem:$0x3FAF]  }
0x30: {  	s3 =	sld [smem:$0x3FB2]  }
0x31: {  	[smem:$0x3FBB] =	sst s10  }
0x32: {  	s10 =	sld [smem:$0x3FB9];
	_ =	sdelay $0x3  }
0x33: {  	p0 =	seq.s32 s10, $0x1;
	s10 =	sld [smem:$0x3FBB];
	_ =	sdelay $0x3  }
0x34: {  	[smem:$0x3FBB] =	sst s10  }
0x35: {  	s10 =	sld [smem:$0x3FBA];
	_ =	sdelay $0x3  }
0x36: {  	p1 =	seq.s32 s10, $0x1;
	s10 =	sld [smem:$0x3FBB];
	_ =	sdelay $0x3  }
0x37: {  	[smem:$0x3FBB] =	sst s10  }
0x38: {  	s10 =	sld [smem:$0x3FBC]  }
0x39: {  	_ = 	snop;
	(pc) =	sbr.ind lr, $3  }
0x3a: {  	_ = 	snop  }
0x3b: {  	_ = 	snop  }
0x3c: {  	p2 =	seq.s32 s10, $0x1;
	s10 =	sld [smem:$0x3FBB]  }
0x3d: {  	_ =	shalt  }
0x3e: {  	_ =	shalt  }
0x3f: {  	_ =	shalt  }
0x40: {  	_ =	shalt  }
0x41: {  	_ =	shalt  }
0x42: {  	_ =	shalt  }
0x43: {  	_ =	shalt  }
0x44: {  	_ =	shalt  }
0x45: {  	_ =	shalt  }
0x46: {  	_ =	shalt  }
0x47: {  	_ =	shalt  }
0x48: {  	_ =	shalt  }
0x49: {  	_ =	shalt  }
0x4a: {  	_ =	shalt  }
0x4b: {  	_ =	shalt  }
0x4c: {  	_ =	shalt  }
0x4d: {  	_ =	shalt  }
0x4e: {  	_ =	shalt  }
0x4f: {  	_ =	shalt  }
0x50: {  	_ =	shalt  }
0x51: {  	_ =	shalt  }
0x52: {  	_ =	shalt  }
0x53: {  	_ =	shalt  }
0x54: {  	_ =	shalt  }
0x55: {  	_ =	shalt  }
0x56: {  	_ =	shalt  }
0x57: {  	_ =	shalt  }
0x58: {  	_ =	shalt  }
0x59: {  	_ =	shalt  }
0x5a: {  	_ =	shalt  }
0x5b: {  	_ =	shalt  }
0x5c: {  	_ =	shalt  }
0x5d: {  	_ =	shalt  }
0x5e: {  	_ =	shalt  }
0x5f: {  	_ =	shalt  }
0x60: {  	_ =	shalt  }
0x61: {  	_ =	shalt  }
0x62: {  	_ =	shalt  }
0x63: {  	_ =	shalt  }
0x64: {  	_ =	shalt  }
0x65: {  	_ =	shalt  }
0x66: {  	_ =	shalt  }
0x67: {  	_ =	shalt  }
0x68: {  	_ =	shalt  }
0x69: {  	_ =	shalt  }
0x6a: {  	_ =	shalt  }
0x6b: {  	_ =	shalt  }
0x6c: {  	_ =	shalt  }
0x6d: {  	_ =	shalt  }
0x6e: {  	_ =	shalt  }
0x6f: {  	_ =	shalt  }
0x70: {  	_ =	shalt  }
0x71: {  	_ =	shalt  }
0x72: {  	_ =	shalt  }
0x73: {  	_ =	shalt  }
0x74: {  	_ =	shalt  }
0x75: {  	_ =	shalt  }
0x76: {  	_ =	shalt  }
0x77: {  	_ =	shalt  }
0x78: {  	_ =	shalt  }
0x79: {  	_ =	shalt  }
0x7a: {  	_ =	shalt  }
0x7b: {  	_ =	shalt  }
0x7c: {  	_ =	shalt  }
0x7d: {  	_ =	shalt  }
0x7e: {  	_ =	shalt  }
0x7f: {  	_ =	shalt  }
0x80: {  	_ =	shalt  }
0x81: {  	_ =	shalt  }
0x82: {  	_ =	shalt  }
0x83: {  	_ =	shalt  }
0x84: {  	_ =	shalt  }
0x85: {  	_ =	shalt  }
0x86: {  	_ =	shalt  }
0x87: {  	_ =	shalt  }
.Lfunc_end0:
.L_simem_size_0:
called_computation_lowered:
.L_overlay_start_0:
0x88: {  	s2 =	sld [smem:$0x3FD9]  }
0x89: {  	s3 =	sld [smem:$0x3FFE];
	_ =	sdelay $0x1  }
0x8a: {  	s1 =	srdreg.scid  }
0x8b: {  	s0 =	sand.u32 $0x1, s1  }
0x8c: {  	s18 =	sshll.u32 s0, $0xA;
	s2 =	sadd.s32 s3, s2  }
0x8d: {  	s2 =	sadd.s32 s2, s18  }
0x8e: {  	[smem:$0x3FC7] =	sst s2  }
0x8f: {  	_ = 	snop  }
0x90: {  	s2 =	sld [smem:$0x3FC9]  }
0x91: {  	s19 =	sld [smem:$0x3FD0];
	(tm) =	ssettm $0x1  }
0x92: {  	s4 =	sld [smem:$0x3FFB];
	_ =	sdelay $0x3  }
0x93: {  	_ =	strace s4  }
0x94: {  	s4 =	sld [smem:$0x3FFC];
	_ =	sdelay $0x3  }
0x95: {  	_ =	strace s4  }
0x96: {  	s4 =	sld [smem:$0x3FFD];
	_ =	sdelay $0x3  }
0x97: {  	_ =	strace s4  }
0x98: {  	_ =	strace $0x8FFFFFFF  }
0x99: {  	s20 =	sld [smem:$0x3FDB];
	_ =	sdelay $0x1  }
0x9a: {  	s5 =	simm.s32 $_scs_section_size  }
0x9b: {  	s6 =	simm.s32 $_size__tile_overlayer_lowered;
	s7 =	simm.s32 $_tile_overlayer_lowered  }
0x9c: {  	s23 =	simm.s32 $0x1BFF;
	s22 =	sshll.u32 s7, $0x1;
	s4 =	sadd.s32 s5, s20  }
0x9d: {  	s8 =	simm.s32 $0x0;
	s21 =	sshll.u32 s6, $0x1;
	s6 =	sadd.s32 s22, s4  }
0x9e: {  	[timem:s8], [sflag:s23] =	dma.local [hbm:s6], s21  }
0x9f: {  	_ =	swait.ge [sflag:s23], s21  }
0xa0: {  	s5 =	ssub.s32 $0x0, s21;
	[sflag:s23] =	ssyncset.done $0x0  }
0xa1: {  	[sflag:s23] =	ssyncadd.s32 s5;
	_ =	sdelay $0x1  }
0xa2: {  	s24 =	simm.s32 $0x1B8B  }
0xa3: {  	_ =	swait.ge [sflag:s24], $0x1  }
0xa4: {  	[sflag:s24] =	ssyncset.done $0x0  }
0xa5: {  	s25 =	simm.s32 $0x1B8E;
	[sflag:s24] =	ssyncadd.s32 $0xFFFFFFFF  }
0xa6: {  	s26 =	simm.s32 $execute0_lowered;
	[smem:$0x3FD2] =	sst s25  }
0xa7: {  	s5 =	sshll.u32 s26, $0x1;
	_ =	strace $0x80000046;
	[dreg:$0x1] =	wrdreg $0xFFFFFFFF  }
0xa8: {  	s28 =	simm.s32 $_size_execute0_lowered;
	s4 =	sadd.s32 s4, s5;
	[dreg:$0x0] =	wrdreg $0x0  }
0xa9: {  	s5 =	sshll.u32 s28, $0x1;
	[dreg:$0x2] =	wrdreg s4  }
0xaa: {  	[dreg:$0x3] =	wrdreg s5  }
0xab: {  	[dreg:$0x4] =	wrdreg $0xC0  }
0xac: {  	_ =	task [dreg:s8], $0x5FFFF  }
0xad: {  	[dreg:$0x1] =	wrdreg $0xFFFFFFFF  }
0xae: {  	[dreg:$0x0] =	wrdreg $0x60  }
0xaf: {  	[dreg:$0x2] =	wrdreg s2  }
0xb0: {  	[dreg:$0x3] =	wrdreg s19  }
0xb1: {  	[dreg:$0x4] =	wrdreg $0x9  }
0xb2: {  	_ =	task.clear_ibuf [dreg:s8], $0x5FFFF;
	_ =	strace $0x90000046  }
0xb3: {  	s29 =	simm.s32 $0x9;
	_ =	strace $0x80000048  }
0xb4: {  	_ =	swait.ge [sflag:s29], $0x1  }
0xb5: {  	[sflag:s29] =	ssyncadd.s32 $0xFFFFFFFF  }
0xb6: {  	_ =	strace $0x90000048  }
0xb7: {  	_ =	sfence  }
0xb8: {  	s30 =	sld [smem:$0x0];
	_ =	sdelay $0x2  }
0xb9: {  	s31 =	sshll.u32 s1, $0xD;
	s1 =	sshrl.u32 s1, $0x2  }
0xba: {  	s3 =	sand.u32 $0x4000, s31;
	s1 =	sadd.s32 s1, s30  }
0xbb: {  	s0 =	sor.u32 s3, s0;
	s1 =	sshll.u32 s1, $0x11  }
0xbc: {  	s0 =	sor.u32 s1, s0  }
0xbd: {  	s0 =	sadd.s32 $0x8F2B, s0  }
0xbe: {  	[sflag:s0] =	ssyncadd.remote.s32 $0x1  }
0xbf: {  	_ =	sfence.sel $0xFFFF  }
0xc0: {  	[dreg:$0x0] =	wrdreg $0xFFFFFFFF;
	(pc) =	sbr.abs _section_cstart, $3  }
0xc1: {  	[dreg:$0x1] =	wrdreg $0xFFFFFFFF  }
0xc2: {  	_ =	task.clear_ibuf [dreg:s8], $0x2FFFF;
	_ =	strace $0x9FFFFFFF  }
0xc3: {  	(tm) =	ssettm $0x7FFFFFFF  }
tec
execute0_lowered:
.L_overlay_start_1:
0x0: {  	(tag) =	ssettag $0x1  }
0x1: {  	s1 =	rddreg [dreg:$0x0]  }
0x2: {  	s6 =	rddreg [dreg:$0x1];
	s2 =	simm.s32 $0x0  }
0x3: {  	[smem:$0x7FF] =	sst s2  }
0x4: {  	s0 =	rddreg [dreg:$0x2];
	v0 =	vimm.s32 $0x0;
	_ =	strace $0x80000047  }
0x5: {  	(xrf0) =	vadd.scan.msk.s32 $0xffff, v0;
	_ =	sdelay $0x5  }
0x6: {  	v1, _, _ =	vpop (xrf0)  }
0x7: {  	(v2sf) =	vpush v1, $0xF;
	_ =	sdelay $0x7  }
0x8: {  	s3 =	srdreg.scid;
	s10 =	simm.s32 $0x400;
	s11 =	simm.s32 $0x3  }
0x9: {  	s12 =	simm.s32 $0xFFFFFFFF;
	s13 =	simm.s32 $0x80000000;
	s14 =	simm.s32 $0x8000  }
0xa: {  	s15 =	simm.s32 $0x2;
	s4 =	sand.u32 $0x1, s3;
	s3 =	stileid.u32  }
.Ltmp0:
0xb: {  	s5 =	ssub.s32 $0x2, s4;
	s31 =	sshll.u32 s3, $0x3;
	(pc) =	sbr.rel .LBB2_1-.Ltmp0, $4  }
0xc: {  	s8 =	sshll.u32 s4, $0x6;
	s4 =	sshll.u32 s4, $0x2;
	s9 =	sshll.u32 s3, $0xF  }
0xd: {  	s7 =	sshrl.u32 s5, $0x1;
	s8 =	sadd.s32 s1, s8;
	s4 =	sor.u32 s4, s31  }
0xe: {  	s6 =	sadd.s32 s6, s9;
	s7 =	ssub.s32 s5, s7;
	s5 =	sadd.s32 s9, s8  }
0xf: {  	v2 =	vlaneseq.u32;
	v3 =	vimm.f32 $-0.0e+00;
	s9 =	simm.s32 $0x80;
	s7 =	smax.u32 s7, $0x1;
	v1 =	vimm.f32 $0.0e+00;
	s8 =	spop (v2sf)  }
.LBB2_41:
0x10: {  	s2 =	sadd.s32 $0x1, s2  }
0x11: {  	p0 =	sne.s32 s2, s7  }
.Ltmp1:
0x12: {  	_ = 	snop;
	(pc) =	sbr.rel @!p0 .LBB2_42-.Ltmp1, $4  }
0x13: {  	_ = 	snop  }
0x14: {  	_ =	swait.ge [sflag:s15], $0x8000  }
0x15: {  	[sflag:s15] =	ssyncset.done $0x0  }
0x16: {  	[sflag:s15] =	ssyncadd.s32 $0xFFFF8000  }
.LBB2_1:
0x17: {  	s17 =	simm.s32 $0x100;
	s16 =	simm.s32 $0x0  }
.LBB2_2:
0x18: {  	p0 =	sne.s32 s17, $0x20000;
	[tilespmem:s16+$0x8030] =	vst v1;
	s18 =	smov.u32 s17;
	s17 =	sadd.s32 $0x100, s17  }
.Ltmp2:
0x19: {  	[tilespmem:s16+$0x8020] =	vst v1;
	(pc) =	sbr.rel @p0 .LBB2_2-.Ltmp2, $3  }
0x1a: {  	[tilespmem:s16+$0x8000] =	vst v1  }
0x1b: {  	[tilespmem:s16+$0x8010] =	vst v1;
	_ =	sdelay $0x1  }
0x1c: {  	s16 =	sshra.s32 s18, $0x2  }
0x1d: {  	[tilespmem:s16+$0x8030] =	vst v1  }
0x1e: {  	[tilespmem:s16+$0x8020] =	vst v1  }
0x1f: {  	[tilespmem:s16+$0x8000] =	vst v1  }
.Ltmp3:
0x20: {  	[tilespmem:s16+$0x8010] =	vst v1;
	s16 =	simm.s32 $0x0;
	(pc) =	sbr.rel .LBB2_4-.Ltmp3, $4  }
0x21: {  	[tilespmem:s16], [sflag:$0x3] =	stream.strided.gather [hbm4b:s5+s9], $0x8000, s10, s9, $0x38;
	[tilespmem:$0x18200] =	vst v63  }
0x22: {  	_ =	swait.ge [sflag:s11], $0x8000  }
0x23: {  	[sflag:s11] =	ssyncset.done $0x0  }
0x24: {  	[sflag:s11] =	ssyncadd.s32 $0xFFFF8000  }
.LBB2_39:
0x25: {  	[tilespmem:s18+$0x0] =	vst v1  }
.LBB2_40:
0x26: {  	v4 =	vld [tilespmem:$0x18180];
	_ =	sdelay $0x2  }
0x27: {  	v5 =	vld [tilespmem:$0x18100];
	_ =	sdelay $0x4  }
0x28: {  	[tilespmem:v4+s14+$0x0] =	vst.idx.msk $0xffff, v5  }
0x29: {  	v4 =	vld [tilespmem:$0x18190];
	_ =	sdelay $0x2  }
0x2a: {  	v5 =	vld [tilespmem:$0x18110];
	_ =	sdelay $0x4  }
0x2b: {  	[tilespmem:v4+s14+$0x0] =	vst.idx.msk $0xffff, v5  }
0x2c: {  	v4 =	vld [tilespmem:$0x181A0];
	_ =	sdelay $0x2  }
0x2d: {  	v5 =	vld [tilespmem:$0x18120];
	_ =	sdelay $0x4  }
0x2e: {  	[tilespmem:v4+s14+$0x0] =	vst.idx.msk $0xffff, v5  }
0x2f: {  	v4 =	vld [tilespmem:$0x181B0];
	_ =	sdelay $0x2  }
0x30: {  	s16 =	sadd.s32 $0x1, s16;
	v5 =	vld [tilespmem:$0x18130]  }
0x31: {  	p0 =	sne.s32 s16, $0x4  }
.Ltmp4:
0x32: {  	_ = 	snop;
	(pc) =	sbr.rel @!p0 .LBB2_41-.Ltmp4, $4  }
0x33: {  	s17 =	sshll.u32 s17, $0x4  }
0x34: {  	s17 =	sand.u32 $0x70, s17  }
0x35: {  	s17 =	sadd.s32 s17, s6;
	[tilespmem:v4+s14+$0x0] =	vst.idx.msk $0xffff, v5  }
0x36: {  	[hbm4b:s17+s9] =	stream.strided.scatter [tilespmem:s14], [sflag:$0x2], $0x8000, s10, s9, $0x38;
	[tilespmem:$0x18200] =	vst v63  }
.LBB2_4:
0x37: {  	p0 =	seq.s32 s16, $0x0  }
0x38: {  	s17 =	simm.s32 @!p0 $0x1  }
0x39: {  	_ =	swait.ge @!p0 [sflag:s17], $0x8000  }
0x3a: {  	[sflag:s17] =	ssyncset.done @!p0 $0x0  }
0x3b: {  	s18 =	simm.s32 $0x0;
	[sflag:s17] =	ssyncadd.s32 @!p0 $0xFFFF8000  }
0x3c: {  	v13 =	vld [tilespmem:s18+$0x40]  }
0x3d: {  	v5 =	vld [tilespmem:s18+$0x50]  }
0x3e: {  	v4 =	vld [tilespmem:s18+$0x60]  }
0x3f: {  	v8 =	vld [tilespmem:s18+$0x0]  }
0x40: {  	v6 =	vimm.f32 $-Inf;
	v7 =	vld [tilespmem:s18+$0x10]  }
0x41: {  	s19 =	simm.s32 $0x200;
	v9 =	vimm.f32 $-Inf;
	v10 =	vimm.f32 $-Inf;
	v12 =	vimm.f32 $-Inf;
	s17 =	sadd.s32 s4, s16;
	v11 =	vld [tilespmem:s18+$0x20]  }
.LBB2_5:
0x42: {  	p1 =	sne.s32 s19, $0x1FE00;
	v14 =	vld [tilespmem:s18+$0x30];
	v15 =	vmov v5  }
0x43: {  	v16 =	vld [tilespmem:s18+$0x70];
	s18 =	sshra.s32 s19, $0x2;
	v17 =	vmov v4  }
0x44: {  	v18 =	vld [tilespmem:s18+$0x40]  }
.Ltmp5:
0x45: {  	v6 =	vmax.f32 v6, v8;
	v5 =	vld [tilespmem:s18+$0x50];
	(pc) =	sbr.rel @p1 .LBB2_5-.Ltmp5, $4  }
0x46: {  	v6 =	vmax.f32 v6, v13;
	v4 =	vld [tilespmem:s18+$0x60]  }
0x47: {  	v9 =	vmax.f32 v9, v7;
	v10 =	vmax.f32 v10, v11;
	v8 =	vld [tilespmem:s18+$0x0];
	v11 =	vmax.f32 v12, v14  }
0x48: {  	v9 =	vmax.f32 v9, v15;
	v10 =	vmax.f32 v10, v17;
	v7 =	vld [tilespmem:s18+$0x10];
	v12 =	vmax.f32 v11, v16  }
0x49: {  	s19 =	sadd.s32 $0x200, s19;
	v11 =	vld [tilespmem:s18+$0x20];
	v13 =	vmov v18  }
0x4a: {  	v14 =	vld [tilespmem:s18+$0x30]  }
0x4b: {  	v15 =	vld [tilespmem:s18+$0x70];
	_ =	sdelay $0x1  }
0x4c: {  	v6 =	vmax.f32 v6, v8  }
0x4d: {  	v6 =	vmax.f32 v6, v13  }
0x4e: {  	v7 =	vmax.f32 v9, v7;
	v52 =	vmax.f32 v10, v11;
	v53 =	vmax.f32 v12, v14  }
0x4f: {  	v5 =	vmax.f32 v7, v5;
	v4 =	vmax.f32 v52, v4;
	v7 =	vmax.f32 v53, v15  }
0x50: {  	v54 =	vmin.f32 v6, v5;
	v9 =	vmin.f32 v4, v7  }
0x51: {  	v5 =	vmax.f32 v6, v5;
	v4 =	vmax.f32 v4, v7;
	v8 =	vmin.f32 v54, v9  }
0x52: {  	v4 =	vmax.f32 v5, v4;
	v5 =	vshra.s32 v8, $0x1F  }
0x53: {  	v6 =	vxor.u32 $0x80000000, v8;
	v7 =	vshra.s32 v4, $0x1F;
	v5 =	vand.u32 $0x7FFFFFFF, v5  }
0x54: {  	(xrf0) =	vmin.scan.msk.f32 $0xffff, v8;
	v4 =	vxor.u32 $0x80000000, v4;
	v5 =	vxor.u32 v6, v5;
	v6 =	vand.u32 $0x7FFFFFFF, v7  }
0x55: {  	(xrf0) =	vmin.scan.msk.u32 $0xffff, v5;
	v4 =	vxor.u32 v4, v6  }
0x56: {  	(xrf0) =	vmax.scan.msk.u32 $0xffff, v4;
	_ =	sdelay $0x3  }
0x57: {  	v4, _, _ =	vpop (xrf0)  }
0x58: {  	v5, _, _ =	vpop (xrf0)  }
0x59: {  	(v2sf) =	vpush v5, $0xF;
	v5, _, _ =	vpop (xrf0)  }
0x5a: {  	(v2sf) =	vpush v5, $0xF;
	_ =	sdelay $0xd  }
0x5b: {  	s20 =	spop (v2sf)  }
0x5c: {  	s18 =	simm.s32 @!p0 $0x2;
	s19 =	spop (v2sf)  }
0x5d: {  	_ =	swait.ge @!p0 [sflag:s18], $0x8000  }
0x5e: {  	[sflag:s18] =	ssyncset.done @!p0 $0x0  }
0x5f: {  	[sflag:s18] =	ssyncadd.s32 @!p0 $0xFFFF8000  }
0x60: {  	v5 =	vld @!p0 [tilespmem:$0x18180];
	_ =	sdelay $0x6  }
0x61: {  	v6 =	vimm.f32 @!p0 $0.0e+00;
	s18 =	simm.s32 @!p0 $0x8000  }
0x62: {  	[tilespmem:v5+s18+$0x0] =	vst.idx.msk @!p0 $0xffff, v6  }
0x63: {  	v5 =	vld @!p0 [tilespmem:$0x18190];
	_ =	sdelay $0x7  }
0x64: {  	[tilespmem:v5+s18+$0x0] =	vst.idx.msk @!p0 $0xffff, v6  }
0x65: {  	v5 =	vld @!p0 [tilespmem:$0x181A0];
	_ =	sdelay $0x7  }
0x66: {  	[tilespmem:v5+s18+$0x0] =	vst.idx.msk @!p0 $0xffff, v6  }
0x67: {  	v5 =	vld @!p0 [tilespmem:$0x181B0];
	_ =	sdelay $0x7  }
0x68: {  	s21 =	simm.s32 $0x20;
	[tilespmem:v5+s18+$0x0] =	vst.idx.msk @!p0 $0xffff, v6  }
0x69: {  	v5 =	vld [tilespmem:s21+$0xFFFFFFE0];
	_ =	sdelay $0x1  }
0x6a: {  	v6 =	vld [tilespmem:s21+$0xFFFFFFF0]  }
0x6b: {  	v4 =	vbroadcast v4, $0xF  }
0x6c: {  	v7 =	vld [tilespmem:s21+$0x0]  }
0x6d: {  	v55 =	vld [tilespmem:s21+$0x10];
	vm2 =	vge.f32 v5, v4  }
0x6e: {  	v56 =	vmpcnt.ones.xlane vm2  }
0x6f: {  	vm3 =	vge.f32 v6, v4  }
0x70: {  	v57 =	vmpcnt.ones.xlane vm3;
	(v2sf) =	vpush v56, $0x0  }
0x71: {  	vm1 =	vge.f32 v7, v4  }
0x72: {  	vm0 =	vge.f32 v55, v4;
	v58 =	vmpcnt.ones.xlane vm1;
	(v2sf) =	vpush v57, $0x0  }
0x73: {  	v59 =	vmpcnt.ones.xlane vm0  }
0x74: {  	(v2sf) =	vpush v58, $0x0  }
0x75: {  	(v2sf) =	vpush v59, $0x0;
	_ =	sdelay $0x6  }
0x76: {  	v60 =	vshra.s32 v5, $0x1F  }
0x77: {  	v9 =	vand.u32 $0x7FFFFFFF, v60  }
0x78: {  	s26 =	simm.s32 $0x0;
	v61 =	vshra.s32 v6, $0x1F;
	v5 =	vxor.u32 v5, v9  }
0x79: {  	v9 =	vand.u32 $0x7FFFFFFF, v61;
	[tilespmem:s26+$0x8000] =	vst.msk vm2, v5;
	v5 =	vor.u32 s26, v2;
	s22 =	spop (v2sf)  }
0x7a: {  	s23 =	simm.s32 $0x10;
	v62 =	vshra.s32 v7, $0x1F;
	v6 =	vxor.u32 v6, v9;
	[tilespmem:s26+$0x10080] =	vst.msk vm2, v5;
	s22 =	sadd.s32 $0x0, s22  }
0x7b: {  	v5 =	vand.u32 $0x7FFFFFFF, v62;
	s28 =	spop (v2sf);
	[tilespmem:s22+$0x8000] =	vst.msk vm3, v6;
	v6 =	vor.u32 s23, v2  }
0x7c: {  	s29 =	simm.s32 $0x20;
	v63 =	vshra.s32 v55, $0x1F;
	v5 =	vxor.u32 v7, v5;
	s18 =	sadd.s32 s28, s22;
	[tilespmem:s22+$0x10080] =	vst.msk vm3, v6  }
0x7d: {  	s30 =	spop (v2sf);
	v6 =	vand.u32 $0x7FFFFFFF, v63;
	[tilespmem:s18+$0x8000] =	vst.msk vm1, v5;
	v5 =	vor.u32 s29, v2  }
0x7e: {  	s24 =	simm.s32 $0x30;
	s23 =	sadd.s32 s30, s18;
	s31 =	spop (v2sf);
	v6 =	vxor.u32 v55, v6;
	[tilespmem:s18+$0x10080] =	vst.msk vm1, v5  }
0x7f: {  	s22 =	simm.s32 $0x40;
	v5 =	vor.u32 s24, v2;
	s18 =	sadd.s32 s31, s23;
	[tilespmem:s23+$0x8000] =	vst.msk vm0, v6  }
.LBB2_7:
0x80: {  	p0 =	sne.s32 s22, $0x7FC0  }
0x81: {  	[tilespmem:s23+$0x10080] =	vst.msk vm0, v5;
	s21 =	sadd.s32 $0x40, s21;
	s23 =	smov.u32 s22;
	s22 =	sadd.s32 $0x40, s22  }
0x82: {  	v5 =	vld [tilespmem:s21+$0xFFFFFFE0];
	_ =	sdelay $0x1  }
0x83: {  	v6 =	vld [tilespmem:s21+$0xFFFFFFF0];
	_ =	sdelay $0x1  }
0x84: {  	v7 =	vld [tilespmem:s21+$0x0]  }
0x85: {  	v8 =	vld [tilespmem:s21+$0x10];
	vm3 =	vge.f32 v5, v4;
	v9 =	vshra.s32 v5, $0x1F  }
0x86: {  	v9 =	vand.u32 $0x7FFFFFFF, v9;
	v10 =	vmpcnt.ones.xlane vm3  }
0x87: {  	vm1 =	vge.f32 v6, v4;
	v5 =	vxor.u32 v5, v9;
	v9 =	vshra.s32 v6, $0x1F  }
0x88: {  	v9 =	vand.u32 $0x7FFFFFFF, v9;
	v11 =	vmpcnt.ones.xlane vm1;
	(v2sf) =	vpush v10, $0x0  }
0x89: {  	vm2 =	vge.f32 v7, v4;
	v6 =	vxor.u32 v6, v9;
	v9 =	vshra.s32 v7, $0x1F  }
0x8a: {  	vm0 =	vge.f32 v8, v4;
	v10 =	vmpcnt.ones.xlane vm2;
	(v2sf) =	vpush v11, $0x0  }
0x8b: {  	v9 =	vand.u32 $0x7FFFFFFF, v9;
	v11 =	vshra.s32 v8, $0x1F;
	v12 =	vmpcnt.ones.xlane vm0  }
0x8c: {  	v7 =	vxor.u32 v7, v9;
	v9 =	vand.u32 $0x7FFFFFFF, v11;
	(v2sf) =	vpush v10, $0x0  }
0x8d: {  	v8 =	vxor.u32 v8, v9;
	(v2sf) =	vpush v12, $0x0;
	_ =	sdelay $0x9  }
0x8e: {  	[tilespmem:s18+$0x8000] =	vst.msk vm3, v5;
	v5 =	vor.u32 s23, v2;
	s24 =	spop (v2sf)  }
0x8f: {  	s25 =	sadd.s32 $0x10, s23;
	s24 =	sadd.s32 s18, s24;
	[tilespmem:s18+$0x10080] =	vst.msk vm3, v5  }
.Ltmp6:
0x90: {  	v5 =	vor.u32 s25, v2;
	[tilespmem:s24+$0x8000] =	vst.msk vm1, v6;
	s18 =	spop (v2sf);
	(pc) =	sbr.rel @p0 .LBB2_7-.Ltmp6, $4  }
0x91: {  	s25 =	sadd.s32 $0x20, s23;
	s18 =	sadd.s32 s18, s24;
	[tilespmem:s24+$0x10080] =	vst.msk vm1, v5  }
0x92: {  	v5 =	vor.u32 s25, v2;
	[tilespmem:s18+$0x8000] =	vst.msk vm2, v7;
	s24 =	spop (v2sf)  }
0x93: {  	s25 =	sadd.s32 $0x30, s23;
	s23 =	sadd.s32 s24, s18;
	[tilespmem:s18+$0x10080] =	vst.msk vm2, v5;
	s18 =	spop (v2sf)  }
0x94: {  	v5 =	vor.u32 s25, v2;
	[tilespmem:s23+$0x8000] =	vst.msk vm0, v8;
	s18 =	sadd.s32 s18, s23  }
0x95: {  	s20 =	sxor.u32 s19, s20  }
0x96: {  	v4 =	vmov s20  }
0x97: {  	v4 =	vcvt.s32.f32 v4;
	_ =	sdelay $0x1  }
0x98: {  	v4 =	vshrl.u32 v4, $0x17  }
0x99: {  	v4 =	vand.u32 $0xFF, v4  }
0x9a: {  	v4 =	vor.u32 $0x80000000, v4  }
0x9b: {  	v4 =	vbroadcast v4, $0x0;
	_ =	sdelay $0x1  }
0x9c: {  	(xrf0) =	vmax.scan.msk.u32 $0xffff, v4;
	_ =	sdelay $0x5  }
0x9d: {  	v4, _, _ =	vpop (xrf0)  }
0x9e: {  	(v2sf) =	vpush v4, $0xF;
	_ =	sdelay $0x7  }
0x9f: {  	p0 =	seq.s32 s16, $0x3  }
0xa0: {  	s20 =	sadd.s32 @!p0 $0x1, s17  }
0xa1: {  	s21 =	sshll.u32 @!p0 s20, $0x4  }
0xa2: {  	s20 =	sshll.u32 @!p0 s20, $0xC;
	s21 =	sand.u32 @!p0 $0x70, s21  }
0xa3: {  	s22 =	simm.s32 @!p0 $0x400;
	s20 =	sand.u32 @!p0 $0xFFF8000, s20;
	s21 =	sadd.s32 @!p0 s1, s21  }
0xa4: {  	[tilespmem:s23+$0x10080] =	vst.msk vm0, v5;
	s23 =	simm.s32 @!p0 $0x0;
	s20 =	sadd.s32 @!p0 s20, s21;
	s21 =	simm.s32 @!p0 $0x80  }
0xa5: {  	[tilespmem:s23], [sflag:$0x1] =	stream.strided.gather @!p0 [hbm4b:s20+s21], $0x8000, s22, s21, $0x38;
	[tilespmem:$0x18200] =	vst v63  }
0xa6: {  	s28 =	spop (v2sf)  }
0xa7: {  	s25 =	sadd.s32 $0x1F, s18;
	s22 =	sadd.s32 $0x7FFFFF83, s28  }
0xa8: {  	p1 =	slt.s32 s25, $0x1;
	s20 =	sand.u32 $0x1F, s25;
	p3 =	sgt.s32 s22, $0x0  }
0xa9: {  	p2 =	sne.s32 s20, $0x0;
	p0 =	sgt.s32 s22, $0x1F;
	s22 =	simm.s32 @!p3 $0x0  }
0xaa: {  	p1 =	por !p1, !p2;
	s31 =	smax.u32 s22, $0x20  }
0xab: {  	s24 =	simm.s32 $0x1;
	p1 =	por !p1, !p1;
	s20 =	ssub.s32 s31, s22  }
0xac: {  	s24 =	simm.s32 @!p1 $0x0;
	p1 =	sgt.u32 s20, $0x1F  }
.Ltmp7:
0xad: {  	s26 =	sshra.s32 s25, $0x1F;
	(pc) =	sbr.rel @!p1 .LBB2_9-.Ltmp7, $4  }
0xae: {  	s21 =	sshrl.u32 s26, $0x1B;
	[tilespmem:s18+$0x8000] =	vst v3;
	s30 =	smin.u32 s22, $0x1F  }
0xaf: {  	s21 =	sadd.s32 s21, s25;
	[tilespmem:s18+$0x8010] =	vst v3;
	s25 =	sshll.u32 s12, s30  }
0xb0: {  	[tilespmem:s18+$0x8020] =	vst v3;
	s29 =	sshra.s32 s21, $0x5;
	s21 =	sand.u32 s19, s25  }
0xb1: {  	[tilespmem:s18+$0x8030] =	vst v3;
	s19 =	ssub.s32 s29, s24;
	s21 =	simm.s32 @p0 $0x0  }
.LBB2_15:
0xb2: {  	p1 =	slt.s32 s19, $0x1  }
.Ltmp8:
0xb3: {  	_ = 	snop;
	(pc) =	sbr.rel @p1 .LBB2_16-.Ltmp8, $3  }
0xb4: {  	_ =	sdelay $0x1  }
0xb5: {  	s20 =	sxor.u32 $0x80000000, s21  }
0xb6: {  	p0 =	sne.s32 s19, $0x1;
	v4 =	vmov s20;
	s20 =	sadd.s32 $0xFFFFFFFF, s19  }
0xb7: {  	s21 =	simm.s32 $0x8010  }
0xb8: {  	v7 =	vld [tilespmem:s21+$0xFFFFFFF0]  }
.Ltmp9:
0xb9: {  	v6 =	vld [tilespmem:s21+$0x0];
	(pc) =	sbr.rel @!p0 .LBB2_19-.Ltmp9, $2  }
0xba: {  	_ =	sdelay $0x2  }
0xbb: {  	v5 =	vimm.s32 $0x0;
	s22 =	sadd.s32 $0xFFFFFFFF, s19;
	s23 =	simm.s32 $0x8030;
	vm0 =	vgt.s32 v7, v4;
	v7 =	vimm.s32 $0x0  }
.LBB2_18:
0xbc: {  	v8 =	vld [tilespmem:s23+$0xFFFFFFF0];
	p2 =	sne.s32 s22, $0x1;
	s22 =	sadd.s32 $0xFFFFFFFF, s22;
	v9 =	vsel vm0, $0x1, v0;
	vm0 =	vgt.s32 v6, v4  }
.Ltmp10:
0xbd: {  	v6 =	vld [tilespmem:s23+$0x0];
	v7 =	vadd.s32 v9, v7;
	v9 =	vsel vm0, $0x1, v0;
	(pc) =	sbr.rel @p2 .LBB2_18-.Ltmp10, $2  }
0xbe: {  	v7 =	vadd.s32 v9, v7;
	_ =	sdelay $0x2  }
0xbf: {  	s23 =	sadd.s32 $0x20, s23;
	vm0 =	vgt.s32 v8, v4  }
.LBB2_19:
0xc0: {  	v8 =	vsel vm0, $0x1, v0;
	vm0 =	vgt.s32 v6, v4  }
0xc1: {  	v6 =	vadd.s32 v8, v7;
	v7 =	vsel vm0, $0x1, v0  }
0xc2: {  	v6 =	vadd.s32 v7, v6  }
0xc3: {  	(xrf0) =	vadd.scan.msk.s32 $0xffff, v6;
	_ =	sdelay $0x5  }
0xc4: {  	v6, _, _ =	vpop (xrf0)  }
0xc5: {  	(v2sf) =	vpush v6, $0xF;
	_ =	sdelay $0x9  }
0xc6: {  	v7 =	vld [tilespmem:s21+$0xFFFFFFF0]  }
.Ltmp11:
0xc7: {  	v6 =	vld [tilespmem:s21+$0x0];
	(pc) =	sbr.rel @!p0 .LBB2_21-.Ltmp11, $2  }
0xc8: {  	_ =	sdelay $0x2  }
0xc9: {  	s23 =	sadd.s32 $0xFFFFFFFF, s19;
	vm0 =	veq.s32 v7, v4;
	s21 =	simm.s32 $0x8030;
	s22 =	spop (v2sf)  }
.LBB2_20:
0xca: {  	v7 =	vld [tilespmem:s21+$0xFFFFFFF0];
	p2 =	sne.s32 s23, $0x1;
	s23 =	sadd.s32 $0xFFFFFFFF, s23;
	v8 =	vsel vm0, $0x1, v0;
	vm0 =	veq.s32 v6, v4  }
.Ltmp12:
0xcb: {  	v6 =	vld [tilespmem:s21+$0x0];
	v5 =	vadd.s32 v8, v5;
	v8 =	vsel vm0, $0x1, v0;
	(pc) =	sbr.rel @p2 .LBB2_20-.Ltmp12, $2  }
0xcc: {  	v5 =	vadd.s32 v8, v5;
	_ =	sdelay $0x2  }
0xcd: {  	s21 =	sadd.s32 $0x20, s21;
	vm0 =	veq.s32 v7, v4  }
.LBB2_21:
.Ltmp13:
0xce: {  	(pc) =	sbr.rel .LBB2_22-.Ltmp13, $4  }
0xcf: {  	_ = 	snop  }
0xd0: {  	v7 =	vsel vm0, $0x1, v0;
	vm15 =	veq.s32 v6, v4  }
0xd1: {  	v5 =	vadd.s32 v7, v5;
	v6 =	vsel vm15, $0x1, v0  }
0xd2: {  	v5 =	vadd.s32 v6, v5  }
.LBB2_10:
0xd3: {  	v4 =	vimm.s32 $0x0  }
.LBB2_14:
0xd4: {  	(xrf0) =	vadd.scan.msk.s32 $0xffff, v4;
	_ =	sdelay $0x5  }
0xd5: {  	v4, _, _ =	vpop (xrf0)  }
0xd6: {  	(v2sf) =	vpush v4, $0xF;
	_ =	sdelay $0xa  }
0xd7: {  	s20 =	sadd.s32 $0x1, s20  }
0xd8: {  	p1 =	sne.s32 s20, $0x20  }
.Ltmp14:
0xd9: {  	_ = 	snop;
	(pc) =	sbr.rel @!p1 .LBB2_15-.Ltmp14, $4  }
0xda: {  	_ = 	snop  }
0xdb: {  	s23 =	spop (v2sf)  }
0xdc: {  	p0 =	sgt.s32 s23, $0x3F  }
0xdd: {  	s21 =	smov.u32 @p0 s22  }
.LBB2_9:
0xde: {  	p0 =	slt.s32 s19, $0x1  }
.Ltmp15:
0xdf: {  	_ = 	snop;
	(pc) =	sbr.rel @p0 .LBB2_10-.Ltmp15, $3  }
0xe0: {  	_ =	sdelay $0x1  }
0xe1: {  	s22 =	sshrl.u32 s13, s20  }
0xe2: {  	s22 =	sor.u32 s22, s21  }
0xe3: {  	s24 =	simm.s32 $0x8010  }
0xe4: {  	p0 =	sne.s32 s19, $0x1;
	v7 =	vld [tilespmem:s24+$0xFFFFFFF0]  }
.Ltmp16:
0xe5: {  	v6 =	vld [tilespmem:s24+$0x0];
	(pc) =	sbr.rel @!p0 .LBB2_13-.Ltmp16, $4  }
0xe6: {  	_ = 	snop  }
0xe7: {  	s23 =	sxor.u32 $0x80000000, s22  }
0xe8: {  	v4 =	vmov s23  }
0xe9: {  	v5 =	vimm.s32 $0x0;
	s23 =	sadd.s32 $0xFFFFFFFF, s19;
	s24 =	simm.s32 $0x8030;
	vm0 =	vge.s32 v7, v4  }
.LBB2_12:
0xea: {  	v7 =	vld [tilespmem:s24+$0xFFFFFFF0];
	p0 =	sne.s32 s23, $0x1;
	s23 =	sadd.s32 $0xFFFFFFFF, s23;
	v8 =	vsel vm0, $0x1, v0;
	vm0 =	vge.s32 v6, v4  }
.Ltmp17:
0xeb: {  	v6 =	vld [tilespmem:s24+$0x0];
	v5 =	vadd.s32 v8, v5;
	v8 =	vsel vm0, $0x1, v0;
	(pc) =	sbr.rel @p0 .LBB2_12-.Ltmp17, $2  }
0xec: {  	v5 =	vadd.s32 v8, v5;
	_ =	sdelay $0x2  }
0xed: {  	s24 =	sadd.s32 $0x20, s24;
	vm0 =	vge.s32 v7, v4  }
.LBB2_13:
.Ltmp18:
0xee: {  	(pc) =	sbr.rel .LBB2_14-.Ltmp18, $4  }
0xef: {  	_ = 	snop  }
0xf0: {  	v7 =	vsel vm0, $0x1, v0;
	vm15 =	vge.s32 v6, v4  }
0xf1: {  	v4 =	vadd.s32 v7, v5;
	v5 =	vsel vm15, $0x1, v0  }
0xf2: {  	v4 =	vadd.s32 v5, v4  }
.LBB2_16:
0xf3: {  	v5 =	vimm.s32 $0x0;
	s22 =	smov.u32 s8  }
.LBB2_22:
0xf4: {  	(xrf0) =	vadd.scan.msk.s32 $0xffff, v5;
	_ =	sdelay $0x5  }
0xf5: {  	v5, _, _ =	vpop (xrf0)  }
0xf6: {  	(v2sf) =	vpush v5, $0xF;
	_ =	sdelay $0xe  }
0xf7: {  	s21 =	ssub.s32 $0x40, s22;
	s23 =	spop (v2sf)  }
0xf8: {  	p2 =	seq.s32 s23, s21  }
.Ltmp19:
0xf9: {  	_ = 	snop;
	(pc) =	sbr.rel @!p2 .LBB2_23-.Ltmp19, $2  }
0xfa: {  	_ =	sdelay $0x2  }
0xfb: {  	s23 =	simm.s32 $0x8000  }
.LBB2_30:
.Ltmp20:
0xfc: {  	(pc) =	sbr.rel @p1 .LBB2_36-.Ltmp20, $1  }
0xfd: {  	_ =	sdelay $0x3  }
0xfe: {  	s21 =	simm.s32 $0x8010  }
0xff: {  	s22 =	simm.s32 $0x10090;
	v7 =	vld [tilespmem:s21+$0xFFFFFFF0]  }
0x100: {  	v6 =	vld [tilespmem:s22+$0xFFFFFFF0]  }
.Ltmp21:
0x101: {  	_ = 	snop;
	(pc) =	sbr.rel @!p0 .LBB2_32-.Ltmp21, $3  }
0x102: {  	_ =	sdelay $0x1  }
0x103: {  	v5 =	vmov s23;
	vm0 =	vgt.s32 v7, v4;
	v8 =	vshra.s32 v7, $0x1F  }
0x104: {  	s20 =	simm.s32 $0x0;
	s19 =	sadd.s32 $0xFFFFFFFF, s19;
	p1 =	por $0x0, $0x0;
	vm1 =	veq.s32 v7, v4;
	vm2 =	vlt.s32 v6, v5;
	v8 =	vand.u32 $0x7FFFFFFF, v8  }
0x105: {  	vm1 =	vmand vm1, vm2  }
0x106: {  	vm0 =	vmor vm0, vm1  }
0x107: {  	v9 =	vmpcnt.ones.xlane vm0;
	_ =	sdelay $0x1  }
0x108: {  	v7 =	vxor.u32 v7, v8;
	(v2sf) =	vpush v9, $0x0  }
0x109: {  	v7 =	vmax.f32 v7, $0.0e+00  }
0x10a: {  	[tilespmem:s20+$0x18100] =	vst.msk vm0, v7  }
0x10b: {  	[tilespmem:s20+$0x18180] =	vst.msk vm0, v6  }
0x10c: {  	v6 =	vld [tilespmem:s21+$0x0]  }
0x10d: {  	v7 =	vld [tilespmem:s22+$0x0];
	_ =	sdelay $0x4  }
0x10e: {  	vm0 =	veq.s32 v6, v4;
	vm1 =	vlt.s32 v7, v5  }
0x10f: {  	v8 =	vshra.s32 v6, $0x1F;
	vm2 =	vgt.s32 v6, v4;
	vm0 =	vmand vm0, vm1  }
0x110: {  	v8 =	vand.u32 $0x7FFFFFFF, v8;
	vm0 =	vmor vm2, vm0  }
0x111: {  	v6 =	vxor.u32 v6, v8;
	v8 =	vmpcnt.ones.xlane vm0;
	_ =	sdelay $0x1  }
0x112: {  	s31 =	spop (v2sf);
	(v2sf) =	vpush v8, $0x0;
	_ =	sdelay $0x3  }
0x113: {  	v6 =	vmax.f32 v6, $0.0e+00;
	s23 =	sadd.s32 $0x0, s31  }
0x114: {  	[tilespmem:s23+$0x18100] =	vst.msk vm0, v6  }
0x115: {  	s21 =	simm.s32 $0x8030;
	[tilespmem:s23+$0x18180] =	vst.msk vm0, v7  }
0x116: {  	s22 =	simm.s32 $0x100B0;
	v7 =	vld [tilespmem:s21+$0xFFFFFFF0]  }
0x117: {  	p0 =	sne.s32 s19, $0x1;
	v6 =	vld [tilespmem:s22+$0xFFFFFFF0]  }
.Ltmp22:
0x118: {  	_ = 	snop;
	(pc) =	sbr.rel @!p0 .LBB2_35-.Ltmp22, $3  }
0x119: {  	_ =	sdelay $0x1  }
0x11a: {  	vm0 =	vgt.s32 v7, v4;
	v8 =	vshra.s32 v7, $0x1F  }
0x11b: {  	s19 =	sadd.s32 $0xFFFFFFFF, s19;
	p1 =	por $0x1, $0x1;
	vm1 =	veq.s32 v7, v4;
	vm2 =	vlt.s32 v6, v5;
	v8 =	vand.u32 $0x7FFFFFFF, v8  }
.LBB2_34:
0x11c: {  	p0 =	sne.s32 s19, $0x1;
	s19 =	sadd.s32 $0xFFFFFFFF, s19;
	vm1 =	vmand vm1, vm2  }
0x11d: {  	v7 =	vxor.u32 v7, v8;
	vm0 =	vmor vm0, vm1;
	s24 =	spop (v2sf)  }
0x11e: {  	v7 =	vmax.f32 v7, $0.0e+00;
	v8 =	vmpcnt.ones.xlane vm0;
	s23 =	sadd.s32 s23, s24  }
0x11f: {  	[tilespmem:s23+$0x18100] =	vst.msk vm0, v7  }
0x120: {  	[tilespmem:s23+$0x18180] =	vst.msk vm0, v6;
	(v2sf) =	vpush v8, $0x0  }
0x121: {  	v6 =	vld [tilespmem:s21+$0x0]  }
0x122: {  	v7 =	vld [tilespmem:s22+$0x0];
	_ =	sdelay $0x3  }
0x123: {  	vm0 =	veq.s32 v6, v4;
	v8 =	vshra.s32 v6, $0x1F  }
0x124: {  	vm1 =	vgt.s32 v6, v4;
	vm2 =	vlt.s32 v7, v5;
	v8 =	vand.u32 $0x7FFFFFFF, v8  }
0x125: {  	vm0 =	vmand vm0, vm2;
	v6 =	vxor.u32 v6, v8  }
0x126: {  	vm0 =	vmor vm1, vm0  }
0x127: {  	v8 =	vmpcnt.ones.xlane vm0;
	_ =	sdelay $0x1  }
0x128: {  	(v2sf) =	vpush v8, $0x0;
	_ =	sdelay $0x2  }
0x129: {  	s24 =	spop (v2sf)  }
0x12a: {  	v6 =	vmax.f32 v6, $0.0e+00;
	s23 =	sadd.s32 s23, s24  }
0x12b: {  	[tilespmem:s23+$0x18100] =	vst.msk vm0, v6  }
0x12c: {  	s21 =	sadd.s32 $0x20, s21;
	s22 =	sadd.s32 $0x20, s22;
	[tilespmem:s23+$0x18180] =	vst.msk vm0, v7  }
0x12d: {  	v7 =	vld [tilespmem:s21+$0xFFFFFFF0]  }
0x12e: {  	v6 =	vld [tilespmem:s22+$0xFFFFFFF0]  }
.Ltmp23:
0x12f: {  	(pc) =	sbr.rel @p0 .LBB2_34-.Ltmp23, $3  }
0x130: {  	_ =	sdelay $0x1  }
0x131: {  	vm0 =	vgt.s32 v7, v4;
	v8 =	vshra.s32 v7, $0x1F  }
0x132: {  	vm1 =	veq.s32 v7, v4;
	vm2 =	vlt.s32 v6, v5;
	v8 =	vand.u32 $0x7FFFFFFF, v8  }
.LBB2_35:
0x133: {  	_ = 	snop  }
0x134: {  	s19 =	spop @p1 (v2sf)  }
0x135: {  	vm1 =	vmand vm1, vm2;
	v7 =	vxor.u32 v7, v8;
	s19 =	sadd.s32 @p1 s23, s19  }
0x136: {  	vm0 =	vmor vm0, vm1;
	v7 =	vmax.f32 v7, $0.0e+00;
	s20 =	smov.u32 @p1 s19  }
0x137: {  	[tilespmem:s20+$0x18100] =	vst.msk vm0, v7  }
0x138: {  	[tilespmem:s20+$0x18180] =	vst.msk vm0, v6  }
0x139: {  	v6 =	vld [tilespmem:s21+$0x0]  }
0x13a: {  	v7 =	vld [tilespmem:s22+$0x0];
	_ =	sdelay $0x4  }
0x13b: {  	v63 =	vmpcnt.ones.xlane vm0;
	vm13 =	veq.s32 v6, v4;
	vm14 =	vlt.s32 v7, v5  }
0x13c: {  	vm15 =	vgt.s32 v6, v4;
	vm0 =	vmand vm13, vm14  }
0x13d: {  	(v2sf) =	vpush v63, $0x0;
	vm0 =	vmor vm15, vm0  }
0x13e: {  	v4 =	vmpcnt.ones.xlane vm0;
	_ =	sdelay $0x1  }
0x13f: {  	(v2sf) =	vpush v4, $0x0;
	_ =	sdelay $0x9  }
0x140: {  	v4 =	vshra.s32 v6, $0x1F  }
0x141: {  	v4 =	vand.u32 $0x7FFFFFFF, v4  }
0x142: {  	v4 =	vxor.u32 v6, v4;
	s30 =	spop (v2sf)  }
0x143: {  	v4 =	vmax.f32 v4, $0.0e+00;
	s19 =	sadd.s32 s20, s30  }
0x144: {  	[tilespmem:s19+$0x18100] =	vst.msk vm0, v4  }
0x145: {  	[tilespmem:s19+$0x18180] =	vst.msk vm0, v7;
	s31 =	spop (v2sf)  }
.LBB2_36:
0x146: {  	s18 =	sadd.s32 $0x5F, s18  }
0x147: {  	s19 =	sand.u32 $0x1F, s18  }
0x148: {  	s20 =	sshra.s32 s18, $0x1F;
	p0 =	slt.s32 s18, $0x1;
	p1 =	sne.s32 s19, $0x0  }
0x149: {  	s31 =	sshrl.u32 s20, $0x1B;
	p0 =	por !p0, !p1  }
0x14a: {  	s19 =	simm.s32 $0x1;
	s18 =	sadd.s32 s31, s18;
	p0 =	por !p0, !p0  }
0x14b: {  	s18 =	sshra.s32 s18, $0x5;
	s19 =	simm.s32 @!p0 $0x0  }
0x14c: {  	s19 =	ssub.s32 s18, s19  }
0x14d: {  	p0 =	slt.s32 s19, $0x1  }
.Ltmp24:
0x14e: {  	_ = 	snop;
	(pc) =	sbr.rel @p0 .LBB2_40-.Ltmp24, $2  }
0x14f: {  	_ =	sdelay $0x2  }
0x150: {  	s18 =	simm.s32 $0x8010  }
0x151: {  	p0 =	sne.s32 s19, $0x1  }
.Ltmp25:
0x152: {  	_ = 	snop;
	(pc) =	sbr.rel @!p0 .LBB2_39-.Ltmp25, $2  }
0x153: {  	_ =	sdelay $0x2  }
0x154: {  	s19 =	sadd.s32 $0xFFFFFFFF, s19;
	[tilespmem:s18+$0xFFFFFFF0] =	vst v1  }
.LBB2_38:
0x155: {  	p0 =	sne.s32 s19, $0x1  }
.Ltmp26:
0x156: {  	_ = 	snop;
	(pc) =	sbr.rel @p0 .LBB2_38-.Ltmp26, $3  }
0x157: {  	_ =	sdelay $0x1  }
0x158: {  	s19 =	sadd.s32 $0xFFFFFFFF, s19;
	[tilespmem:s18+$0x0] =	vst v1;
	s18 =	sadd.s32 $0x20, s18  }
0x159: {  	[tilespmem:s18+$0xFFFFFFF0] =	vst v1  }
.Ltmp27:
0x15a: {  	_ = 	snop;
	(pc) =	sbr.rel .LBB2_39-.Ltmp27, $1  }
0x15b: {  	_ =	sdelay $0x3  }
.LBB2_23:
.Ltmp28:
0x15c: {  	(pc) =	sbr.rel .LBB2_24-.Ltmp28, $2  }
0x15d: {  	_ =	sdelay $0x2  }
0x15e: {  	s24 =	simm.s32 $0x0;
	s22 =	simm.s32 $0x0  }
.LBB2_25:
0x15f: {  	v5 =	vimm.s32 $0x0  }
.LBB2_29:
0x160: {  	(xrf0) =	vadd.scan.msk.s32 $0xffff, v5;
	_ =	sdelay $0x5  }
0x161: {  	v5, _, _ =	vpop (xrf0)  }
0x162: {  	(v2sf) =	vpush v5, $0xF;
	_ =	sdelay $0xe  }
0x163: {  	s25 =	spop (v2sf)  }
0x164: {  	s22 =	sadd.s32 $0x1, s22;
	p2 =	sgt.s32 s25, s21  }
0x165: {  	s23 =	smov.u32 @p2 s24;
	p2 =	sne.s32 s22, $0x10  }
.Ltmp29:
0x166: {  	_ = 	snop;
	(pc) =	sbr.rel @!p2 .LBB2_30-.Ltmp29, $2  }
0x167: {  	_ =	sdelay $0x2  }
0x168: {  	s24 =	smov.u32 s23  }
.LBB2_24:
.Ltmp30:
0x169: {  	(pc) =	sbr.rel @p1 .LBB2_25-.Ltmp30, $3  }
0x16a: {  	_ =	sdelay $0x1  }
0x16b: {  	s23 =	sshrl.u32 s14, s22  }
0x16c: {  	s23 =	sor.u32 s23, s24  }
0x16d: {  	s26 =	simm.s32 $0x8010  }
0x16e: {  	v10 =	vld [tilespmem:s26+$0x0]  }
.Ltmp31:
0x16f: {  	s25 =	simm.s32 $0x10090;
	v7 =	vld [tilespmem:s26+$0xFFFFFFF0];
	(pc) =	sbr.rel @!p0 .LBB2_28-.Ltmp31, $3  }
0x170: {  	v9 =	vld [tilespmem:s25+$0xFFFFFFF0]  }
0x171: {  	v8 =	vld [tilespmem:s25+$0x0];
	_ =	sdelay $0x1  }
0x172: {  	v5 =	vmov s23;
	v6 =	vimm.s32 $0x0;
	s28 =	smov.u32 s20;
	s26 =	simm.s32 $0x8030  }
.LBB2_27:
0x173: {  	v11 =	vld [tilespmem:s26+$0x0];
	p2 =	sne.s32 s28, $0x1  }
.Ltmp32:
0x174: {  	vm0 =	veq.s32 v7, v4;
	s25 =	sadd.s32 $0x20, s25;
	v7 =	vld [tilespmem:s26+$0xFFFFFFF0];
	vm1 =	vlt.s32 v9, v5;
	(pc) =	sbr.rel @p2 .LBB2_27-.Ltmp32, $4  }
0x175: {  	s28 =	sadd.s32 $0xFFFFFFFF, s28;
	v9 =	vld [tilespmem:s25+$0xFFFFFFF0];
	vm0 =	vmand vm0, vm1;
	vm1 =	veq.s32 v10, v4;
	vm2 =	vlt.s32 v8, v5  }
0x176: {  	v8 =	vld [tilespmem:s25+$0x0];
	v13 =	vsel vm0, $0x1, v0;
	vm0 =	vmand vm1, vm2  }
0x177: {  	v6 =	vadd.s32 v13, v6;
	v12 =	vsel vm0, $0x1, v0  }
0x178: {  	s26 =	sadd.s32 $0x20, s26;
	v6 =	vadd.s32 v12, v6;
	v10 =	vmov v11  }
.LBB2_28:
0x179: {  	_ = 	snop  }
.Ltmp33:
0x17a: {  	vm0 =	veq.s32 v7, v4;
	vm1 =	vlt.s32 v9, v5;
	(pc) =	sbr.rel .LBB2_29-.Ltmp33, $4  }
0x17b: {  	vm14 =	veq.s32 v10, v4;
	vm0 =	vmand vm0, vm1;
	vm2 =	vlt.s32 v8, v5  }
0x17c: {  	v5 =	vsel vm0, $0x1, v0;
	vm15 =	vmand vm14, vm2  }
0x17d: {  	v5 =	vadd.s32 v5, v6;
	v6 =	vsel vm15, $0x1, v0  }
0x17e: {  	v5 =	vadd.s32 v6, v5  }
.LBB2_32:
.Ltmp34:
0x17f: {  	(pc) =	sbr.rel .LBB2_35-.Ltmp34, $2  }
0x180: {  	_ =	sdelay $0x2  }
0x181: {  	_ = 	snop  }
.LBB2_42:
0x182: {  	_ =	sfence.sel $0x180000  }
0x183: {  	[bflag:$0x0] =	sbarrier.arrive $0xFFFF  }
0x184: {  	p0 =	sne.s32 s3, $0x0;
	_ =	strace $0x90000047  }
0x185: {  	s0 =	sadd.s32 @!p0 $0x100000, s0;
	[bflag:$0x2] =	sbarrier.arrive $0xFFFF  }
0x186: {  	[sflag:s0] =	ssyncadd.tile.s32 @!p0 $0x1;
	_ =	shalt  }
.Lfunc_end2:
_tile_overlayer_lowered:
.L_overlay_start_2:
0x187: {  	(tag) =	ssettag $0x2  }
0x188: {  	s0 =	rddreg [dreg:$0x0];
	s2 =	stileid.u32  }
0x189: {  	s1 =	rddreg [dreg:$0x1];
	p0 =	sne.s32 s2, $0x0  }
0x18a: {  	s3 =	rddreg [dreg:$0x2];
	[bflag:$0x3] =	sbarrier.arrive $0xFFFF;
	s2 =	simm.s32 @!p0 $0x1C03  }
0x18b: {  	[timem:s3], [sflag:s2] =	dma.local @!p0 [hbm:s0], s1  }
0x18c: {  	s0 =	simm.s32 @!p0 $0x3  }
0x18d: {  	_ =	swait.ge @!p0 [sflag:s0], s1  }
0x18e: {  	s1 =	ssub.s32 @!p0 $0x0, s1;
	[sflag:s0] =	ssyncset.done @!p0 $0x0  }
0x18f: {  	[sflag:s0] =	ssyncadd.s32 @!p0 s1  }
0x190: {  	[bflag:$0x3] =	sbarrier.arrive $0xFFFF  }
0x191: {  	_ =	shalt  }

</sc_bundles>
